<compile_context>
chip_gen: v7x
topology: tpu7x:2x2x1
jax: 0.10.2.dev20260603
libtpu: 0.0.44.dev20260713+nightly
codegen_flags: <defaults>
</compile_context>

<pallas_src>
import functools

import jax
import jax.numpy as jnp
from jax import lax
from jax.experimental import pallas as pl
from jax.experimental.pallas import tpu as pltpu
from jax.experimental.pallas import tpu_sc as plsc

_BS, _H, _W, _N, _C, _K = 2, 60, 80, 4096, 64, 3
_M = _H * _W
_MT = 256
_MPAD = 4864
_NW = 16
_RPW = 2048
_RTOT = _NW * _RPW


def _topk_body(p_ref, pb_ref, g_ref, w1_ref, b1_ref, idx_ref, h_ref):
    b = pl.program_id(0)
    t = pl.program_id(1)

    m = lax.broadcasted_iota(jnp.int32, (1, _MT), 1) + t * _MT
    qx = (m % _W).astype(jnp.float32)
    qy = (m // _W).astype(jnp.float32)
    qq = qx * qx + qy * qy

    pp = p_ref[0, :, 0:1]

    pxb = pb_ref[0, :, 0:1].astype(jnp.float32)
    pyb = pb_ref[0, :, 1:2].astype(jnp.float32)
    qp = qx * pxb + qy * pyb
    d2 = (qq - 2.0 * qp) + pp

    fiota = lax.broadcasted_iota(jnp.int32, (_N, _MT), 0).astype(jnp.float32)
    gmat = g_ref[0]

    for k in range(_K):
        minv = jnp.min(d2, axis=0, keepdims=True)
        fidx = jnp.min(jnp.where(d2 == minv, fiota, jnp.float32(_N)),
                       axis=0, keepdims=True)
        sel = fiota == fidx
        if k + 1 < _K:
            d2 = jnp.where(sel, jnp.float32(3.0e38), d2)

        idx_ref[0, k:k + 1, :] = fidx.astype(jnp.int32) + b * _N

        onehot = jnp.where(sel, jnp.float32(1), jnp.float32(0)).astype(jnp.bfloat16)
        g = lax.dot_general(gmat, onehot, (((1,), (0,)), ((), ())),
                            preferred_element_type=jnp.float32)
        ox = (g[0:1] + g[1:2]) - qx
        oy = (g[2:3] + g[3:4]) - qy
        norm = jnp.sqrt(ox * ox + oy * oy)

        h1 = (w1_ref[:, 0:1] * ox + w1_ref[:, 1:2] * oy
              + w1_ref[:, 2:3] * norm + b1_ref[...])
        h_ref[0, k] = jnp.where(h1 >= 0, h1, 0.1 * h1)


def _sc_gather(tbl_ref, idx_ref, out_ref, idx_v, rows_v, sem):
    wid = lax.axis_index("s") + lax.axis_index("c")
    pltpu.sync_copy(idx_ref.at[wid], idx_v)
    for h in range(_RPW // 512):
        copies = [pltpu.async_copy(tbl_ref.at[idx_v.at[h * 4 + j]],
                                   rows_v.at[pl.ds(j * 128, 128)], sem)
                  for j in range(4)]
        for c in copies:
            c.wait()
        pltpu.sync_copy(rows_v,
                        out_ref.at[pl.ds(wid * _RPW + h * 512, 512)])


def _combine_body(h_ref, g_ref, w2_ref, b2_ref, w3_ref, b3_ref, out_ref):
    acc = jnp.zeros((_MT, 2 * _C), dtype=jnp.float32)
    for k in range(_K):
        h1 = h_ref[0, k]
        st = lax.dot_general(h1.astype(jnp.bfloat16),
                             w2_ref[...].astype(jnp.bfloat16),
                             (((0,), (1,)), ((), ())),
                             preferred_element_type=jnp.float32)
        s = jax.nn.sigmoid(st + b2_ref[...])
        acc = acc + s * g_ref[0, k]
    out = lax.dot_general(w3_ref[...].astype(jnp.bfloat16),
                          acc.astype(jnp.bfloat16),
                          (((1,), (1,)), ((), ())),
                          preferred_element_type=jnp.float32)
    out = out + b3_ref[...]
    out_ref[0] = jnp.where(out >= 0, out, 0.1 * out)


@jax.jit
def kernel(uv, feat_2d, feat_3d, W1, b1, W2, b2, W3, b3):
    bs = uv.shape[0]
    del feat_2d

    p = jnp.swapaxes(uv, 1, 2)
    pp = jnp.sum(p * p, axis=-1)[..., None]
    pb = p.astype(jnp.bfloat16)

    uv_hi = uv.astype(jnp.bfloat16)
    uv_lo = (uv - uv_hi.astype(jnp.float32)).astype(jnp.bfloat16)
    gmat = jnp.concatenate(
        [uv_hi[:, 0:1], uv_lo[:, 0:1], uv_hi[:, 1:2], uv_lo[:, 1:2],
         jnp.zeros((bs, 4, _N), jnp.bfloat16)], axis=1)

    idx, h4 = pl.pallas_call(
        _topk_body,
        grid=(bs, _MPAD // _MT),
        in_specs=[
            pl.BlockSpec((1, _N, 1), lambda b, t: (b, 0, 0)),
            pl.BlockSpec((1, _N, 2), lambda b, t: (b, 0, 0)),
            pl.BlockSpec((1, 8, _N), lambda b, t: (b, 0, 0)),
            pl.BlockSpec((16, 3), lambda b, t: (0, 0)),
            pl.BlockSpec((16, 1), lambda b, t: (0, 0)),
        ],
        out_specs=[
            pl.BlockSpec((1, _K, _MT), lambda b, t: (b, 0, t)),
            pl.BlockSpec((1, _K, 16, _MT), lambda b, t: (b, 0, 0, t)),
        ],
        out_shape=[
            jax.ShapeDtypeStruct((bs, _K, _MPAD), jnp.int32),
            jax.ShapeDtypeStruct((bs, _K, 16, _MPAD), jnp.float32),
        ],
    )(pp, pb, gmat, W1, b1.reshape(-1, 1))

    tblf = jnp.swapaxes(feat_3d, 1, 2)
    tbl = jnp.concatenate(
        [tblf, jnp.zeros((bs, _N, _C), jnp.float32)], axis=-1
    ).reshape(bs * _N, 2 * _C)
    nflat = bs * _K * _MPAD
    idx3 = jnp.concatenate(
        [idx.reshape(nflat), jnp.zeros((_RTOT - nflat,), jnp.int32)]
    ).reshape(_NW, _RPW // 128, 128)

    mesh = plsc.VectorSubcoreMesh(core_axis_name="c", subcore_axis_name="s",
                                  num_cores=1)
    rows = pl.kernel(
        _sc_gather,
        out_type=jax.ShapeDtypeStruct((_RTOT, 2 * _C), jnp.float32),
        mesh=mesh,
        scratch_types=[
            pltpu.VMEM((_RPW // 128, 128), jnp.int32),
            pltpu.VMEM((512, 2 * _C), jnp.float32),
            pltpu.SemaphoreType.DMA,
        ],
    )(tbl, idx3)
    g4 = rows[:nflat].reshape(bs, _K, _MPAD, 2 * _C)

    out = pl.pallas_call(
        _combine_body,
        grid=(bs, _MPAD // _MT),
        in_specs=[
            pl.BlockSpec((1, _K, 16, _MT), lambda b, t: (b, 0, 0, t)),
            pl.BlockSpec((1, _K, _MT, 2 * _C), lambda b, t: (b, 0, t, 0)),
            pl.BlockSpec((2 * _C, 16), lambda b, t: (0, 0)),
            pl.BlockSpec((1, 2 * _C), lambda b, t: (0, 0)),
            pl.BlockSpec((_C, 2 * _C), lambda b, t: (0, 0)),
            pl.BlockSpec((_C, 1), lambda b, t: (0, 0)),
        ],
        out_specs=pl.BlockSpec((1, _C, _MT), lambda b, t: (b, 0, t)),
        out_shape=jax.ShapeDtypeStruct((bs, _C, _MPAD), jnp.float32),
    )(h4, g4,
      jnp.concatenate([W2, jnp.zeros((_C, 16), W2.dtype)], axis=0),
      jnp.concatenate([b2, jnp.zeros((_C,), b2.dtype)]).reshape(1, -1),
      jnp.concatenate([W3, jnp.zeros((_C, _C), W3.dtype)], axis=1),
      b3.reshape(-1, 1))

    return out[:, :, :_M].reshape(bs, _C, _H, _W)

# --- scband reference (transcript-rebuilt; emitter-appended) ---
"""Pipeline reference for scband-fusion-aware-interp-37795712204988 (READ-ONLY COPY).

The authoritative reference and input builder live on the scoring server;
editing this copy changes nothing except your own understanding.
"""

import jax, jax.numpy as jnp
import numpy as np

BS, H, W, N, C, K = 2, 60, 80, 4096, 64, 3


def mesh_grid(bs, h, w):
    yy, xx = jnp.meshgrid(jnp.arange(h), jnp.arange(w), indexing='ij')
    g = jnp.stack([xx, yy], axis=0).astype(jnp.float32)  # [2, h, w], channel order (x, y)
    return jnp.broadcast_to(g[None], (bs, 2, h, w))


def k_nearest_neighbor(points, queries, k):
    # points: [bs, 2, N]; queries: [bs, 2, M] -> indices [bs, M, k] into N
    p = jnp.swapaxes(points, 1, 2)   # [bs, N, 2]
    q = jnp.swapaxes(queries, 1, 2)  # [bs, M, 2]
    d2 = (jnp.sum(q * q, axis=-1, keepdims=True)
          - 2.0 * jnp.einsum('bmd,bnd->bmn', q, p)
          + jnp.sum(p * p, axis=-1)[:, None, :])
    _, idx = jax.lax.top_k(-d2, k)
    return idx


def batch_indexing(data, idx):
    # data: [bs, C, N]; idx: [bs, M, k] -> [bs, C, M, k]
    return jax.vmap(lambda d, i: d[:, i])(data, idx)


def conv1x1(x, w, b):
    # x: [bs, Cin, ...spatial]; w: [Cout, Cin]; b: [Cout]
    y = jnp.einsum('oi,bi...->bo...', w, x)
    return y + b.reshape((1, -1) + (1,) * (x.ndim - 2))


def leaky_relu(x):
    return jnp.where(x >= 0, x, 0.1 * x)


def setup_inputs(seed: int = 0) -> dict:
    key = jax.random.key(seed)
    ks = jax.random.split(key, 8)
    scale_xy = jnp.array([W - 1.0, H - 1.0], dtype=jnp.float32)[None, :, None]
    uv = jax.random.uniform(ks[0], (BS, 2, N), dtype=jnp.float32) * scale_xy
    feat_2d = jax.random.normal(ks[1], (BS, C, H, W), dtype=jnp.float32)
    feat_3d = jax.random.normal(ks[2], (BS, C, N), dtype=jnp.float32)
    s = 0.1
    W1 = jax.random.normal(ks[3], (16, 3), dtype=jnp.float32) * s
    b1 = jnp.zeros((16,), dtype=jnp.float32)
    W2 = jax.random.normal(ks[4], (C, 16), dtype=jnp.float32) * s
    b2 = jnp.zeros((C,), dtype=jnp.float32)
    W3 = jax.random.normal(ks[5], (C, C), dtype=jnp.float32) * s
    b3 = jnp.zeros((C,), dtype=jnp.float32)
    return {"uv": uv, "feat_2d": feat_2d, "feat_3d": feat_3d,
            "W1": W1, "b1": b1, "W2": W2, "b2": b2, "W3": W3, "b3": b3}


def reference(uv, feat_2d, feat_3d, W1, b1, W2, b2, W3, b3):
    bs, _, image_h, image_w = feat_2d.shape
    n_channels_3d = feat_3d.shape[1]
    grid = mesh_grid(bs, image_h, image_w).reshape(bs, 2, -1)      # [bs, 2, HW]
    knn_indices = k_nearest_neighbor(uv, grid, K)                   # [bs, HW, K]
    knn_cat = batch_indexing(jnp.concatenate([uv, feat_3d], axis=1), knn_indices)  # [bs, 2+C, HW, K]
    knn_uv, knn_feat3d = knn_cat[:, :2], knn_cat[:, 2:]
    knn_offset = knn_uv - grid[..., None]                           # [bs, 2, HW, K]
    knn_offset_norm = jnp.linalg.norm(knn_offset, axis=1, keepdims=True)
    score_input = jnp.concatenate([knn_offset, knn_offset_norm], axis=1)  # [bs, 3, HW, K]
    h1 = leaky_relu(conv1x1(score_input, W1, b1))
    score = jax.nn.sigmoid(conv1x1(h1, W2, b2))                     # [bs, C, HW, K]
    final = (score * knn_feat3d).sum(axis=-1).reshape(bs, n_channels_3d, image_h, image_w)
    final = leaky_relu(conv1x1(final, W3, b3))
    return final

if __name__ == "__main__":
    import jax
    _d = setup_inputs()
    print(jax.jit(kernel)(*tuple(_d.values())))

</pallas_src>

<mosaic_0001>
#map = affine_map<(d0, d1) -> (0, 0)>
#map1 = affine_map<(d0, d1) -> (0, 0, 0)>
module attributes {stable_mosaic.version = 14 : i64} {
  func.func @_sc_gather(%arg0: i32, %arg1: i32, %arg2: memref<8192x128xf32, #tpu.memory_space<hbm>>, %arg3: memref<16x16x128xi32, #tpu.memory_space<hbm>>, %arg4: memref<32768x128xf32, #tpu.memory_space<hbm>>, %arg5: memref<16x128xi32, #tpu.memory_space<vmem>>, %arg6: memref<512x128xf32, #tpu.memory_space<vmem>>, %arg7: memref<!tpu.dma_semaphore, #tpu.memory_space<semaphore_mem>>) attributes {dimension_semantics = [#tpu.dimension_semantics<core_parallel>, #tpu.dimension_semantics<subcore_parallel>], iteration_bounds = array<i64: 1, 16>, scalar_prefetch = 0 : i64, scratch_operands = 3 : i64, tpu.core_type = #tpu.core_type<sc_vector_subcore>, window_params = [{transform_indices = #map}, {transform_indices = #map1}, {transform_indices = #map}]} {
    %add3A = arith.addi %arg1, %arg0 : i32
    "tpu.region"() ({
      %run_scoped3A = tpu.sem_alloc : memref<!tpu.dma_semaphore, #tpu.memory_space<semaphore_mem>>
      %dma_start3A_333 = arith.constant 0 : i32
      %dma_start3A_334 = arith.constant 0 : i32
      %dma_start3A_335 = tpu.memref_slice %arg3[%add3A, %dma_start3A_333, %dma_start3A_334] : memref<16x16x128xi32, #tpu.memory_space<hbm>> -> memref<1x16x128xi32, #tpu.memory_space<hbm>>
      %dma_start3A_336 = tpu.memref_squeeze %dma_start3A_335 : memref<1x16x128xi32, #tpu.memory_space<hbm>> -> memref<16x128xi32, #tpu.memory_space<hbm>>
      %dma_start3A_337 = arith.constant 0 : i32
      %dma_start3A_338 = arith.constant 0 : i32
      %dma_start3A_339 = tpu.memref_slice %arg3[%add3A, %dma_start3A_337, %dma_start3A_338] : memref<16x16x128xi32, #tpu.memory_space<hbm>> -> memref<1x16x128xi32, #tpu.memory_space<hbm>>
      %dma_start3A_340 = tpu.memref_squeeze %dma_start3A_339 : memref<1x16x128xi32, #tpu.memory_space<hbm>> -> memref<16x128xi32, #tpu.memory_space<hbm>>
      tpu.enqueue_dma source(%dma_start3A_340 : memref<16x128xi32, #tpu.memory_space<hbm>>) target(%arg5 : memref<16x128xi32, #tpu.memory_space<vmem>>) target_semaphore(%run_scoped3A : memref<!tpu.dma_semaphore, #tpu.memory_space<semaphore_mem>>)
      %dma_wait3A_341 = arith.constant 0 : i32
      %dma_wait3A_342 = arith.constant 0 : i32
      %dma_wait3A_343 = tpu.memref_slice %arg3[%add3A, %dma_wait3A_341, %dma_wait3A_342] : memref<16x16x128xi32, #tpu.memory_space<hbm>> -> memref<1x16x128xi32, #tpu.memory_space<hbm>>
      %dma_wait3A_344 = tpu.memref_squeeze %dma_wait3A_343 : memref<1x16x128xi32, #tpu.memory_space<hbm>> -> memref<16x128xi32, #tpu.memory_space<hbm>>
      %dma_wait3A_345 = arith.constant 0 : i32
      %dma_wait3A_346 = arith.constant 0 : i32
      %dma_wait3A_347 = tpu.memref_slice %arg3[%add3A, %dma_wait3A_345, %dma_wait3A_346] : memref<16x16x128xi32, #tpu.memory_space<hbm>> -> memref<1x16x128xi32, #tpu.memory_space<hbm>>
      %dma_wait3A_348 = tpu.memref_squeeze %dma_wait3A_347 : memref<1x16x128xi32, #tpu.memory_space<hbm>> -> memref<16x128xi32, #tpu.memory_space<hbm>>
      tpu.wait_dma2 semaphore(%run_scoped3A : memref<!tpu.dma_semaphore, #tpu.memory_space<semaphore_mem>>) src(%dma_wait3A_348 : memref<16x128xi32, #tpu.memory_space<hbm>>) dst(%arg5 : memref<16x128xi32, #tpu.memory_space<vmem>>)
      tpu.yield
    }) : () -> ()
    %dma_start3A = arith.constant 0 : i32
    %dma_start3A_0 = arith.constant 0 : i32
    %dma_start3A_1 = arith.constant 0 : i32
    %dma_start3A_2 = tpu.memref_slice %arg6[%dma_start3A_0, %dma_start3A_1] : memref<512x128xf32, #tpu.memory_space<vmem>> -> memref<128x128xf32, #tpu.memory_space<vmem>>
    %dma_start3A_3 = arith.constant 0 : i32
    %dma_start3A_4 = tpu.memref_slice %arg5[%dma_start3A, %dma_start3A_3] : memref<16x128xi32, #tpu.memory_space<vmem>> -> memref<1x128xi32, #tpu.memory_space<vmem>>
    %dma_start3A_5 = tpu.memref_squeeze %dma_start3A_4 : memref<1x128xi32, #tpu.memory_space<vmem>> -> memref<128xi32, #tpu.memory_space<vmem>>
    %dma_start3A_6 = arith.constant 0 : i32
    %dma_start3A_7 = arith.constant 0 : i32
    %dma_start3A_8 = tpu.memref_slice %arg2[%dma_start3A_6, %dma_start3A_7] : memref<8192x128xf32, #tpu.memory_space<hbm>> -> memref<8192x128xf32, #tpu.memory_space<hbm>>
    tpu.enqueue_indirect_dma source(%dma_start3A_8 : memref<8192x128xf32, #tpu.memory_space<hbm>>) target(%dma_start3A_2 : memref<128x128xf32, #tpu.memory_space<vmem>>) offsets(%dma_start3A_5 : memref<128xi32, #tpu.memory_space<vmem>>) semaphore(%arg7 : memref<!tpu.dma_semaphore, #tpu.memory_space<semaphore_mem>>)
    %dma_start3A_9 = arith.constant 1 : i32
    %dma_start3A_10 = arith.constant 128 : i32
    %dma_start3A_11 = arith.constant 0 : i32
    %dma_start3A_12 = tpu.memref_slice %arg6[%dma_start3A_10, %dma_start3A_11] : memref<512x128xf32, #tpu.memory_space<vmem>> -> memref<128x128xf32, #tpu.memory_space<vmem>>
    %dma_start3A_13 = arith.constant 0 : i32
    %dma_start3A_14 = tpu.memref_slice %arg5[%dma_start3A_9, %dma_start3A_13] : memref<16x128xi32, #tpu.memory_space<vmem>> -> memref<1x128xi32, #tpu.memory_space<vmem>>
    %dma_start3A_15 = tpu.memref_squeeze %dma_start3A_14 : memref<1x128xi32, #tpu.memory_space<vmem>> -> memref<128xi32, #tpu.memory_space<vmem>>
    %dma_start3A_16 = arith.constant 0 : i32
    %dma_start3A_17 = arith.constant 0 : i32
    %dma_start3A_18 = tpu.memref_slice %arg2[%dma_start3A_16, %dma_start3A_17] : memref<8192x128xf32, #tpu.memory_space<hbm>> -> memref<8192x128xf32, #tpu.memory_space<hbm>>
    tpu.enqueue_indirect_dma source(%dma_start3A_18 : memref<8192x128xf32, #tpu.memory_space<hbm>>) target(%dma_start3A_12 : memref<128x128xf32, #tpu.memory_space<vmem>>) offsets(%dma_start3A_15 : memref<128xi32, #tpu.memory_space<vmem>>) semaphore(%arg7 : memref<!tpu.dma_semaphore, #tpu.memory_space<semaphore_mem>>)
    %dma_start3A_19 = arith.constant 2 : i32
    %dma_start3A_20 = arith.constant 256 : i32
    %dma_start3A_21 = arith.constant 0 : i32
    %dma_start3A_22 = tpu.memref_slice %arg6[%dma_start3A_20, %dma_start3A_21] : memref<512x128xf32, #tpu.memory_space<vmem>> -> memref<128x128xf32, #tpu.memory_space<vmem>>
    %dma_start3A_23 = arith.constant 0 : i32
    %dma_start3A_24 = tpu.memref_slice %arg5[%dma_start3A_19, %dma_start3A_23] : memref<16x128xi32, #tpu.memory_space<vmem>> -> memref<1x128xi32, #tpu.memory_space<vmem>>
    %dma_start3A_25 = tpu.memref_squeeze %dma_start3A_24 : memref<1x128xi32, #tpu.memory_space<vmem>> -> memref<128xi32, #tpu.memory_space<vmem>>
    %dma_start3A_26 = arith.constant 0 : i32
    %dma_start3A_27 = arith.constant 0 : i32
    %dma_start3A_28 = tpu.memref_slice %arg2[%dma_start3A_26, %dma_start3A_27] : memref<8192x128xf32, #tpu.memory_space<hbm>> -> memref<8192x128xf32, #tpu.memory_space<hbm>>
    tpu.enqueue_indirect_dma source(%dma_start3A_28 : memref<8192x128xf32, #tpu.memory_space<hbm>>) target(%dma_start3A_22 : memref<128x128xf32, #tpu.memory_space<vmem>>) offsets(%dma_start3A_25 : memref<128xi32, #tpu.memory_space<vmem>>) semaphore(%arg7 : memref<!tpu.dma_semaphore, #tpu.memory_space<semaphore_mem>>)
    %dma_start3A_29 = arith.constant 3 : i32
    %dma_start3A_30 = arith.constant 384 : i32
    %dma_start3A_31 = arith.constant 0 : i32
    %dma_start3A_32 = tpu.memref_slice %arg6[%dma_start3A_30, %dma_start3A_31] : memref<512x128xf32, #tpu.memory_space<vmem>> -> memref<128x128xf32, #tpu.memory_space<vmem>>
    %dma_start3A_33 = arith.constant 0 : i32
    %dma_start3A_34 = tpu.memref_slice %arg5[%dma_start3A_29, %dma_start3A_33] : memref<16x128xi32, #tpu.memory_space<vmem>> -> memref<1x128xi32, #tpu.memory_space<vmem>>
    %dma_start3A_35 = tpu.memref_squeeze %dma_start3A_34 : memref<1x128xi32, #tpu.memory_space<vmem>> -> memref<128xi32, #tpu.memory_space<vmem>>
    %dma_start3A_36 = arith.constant 0 : i32
    %dma_start3A_37 = arith.constant 0 : i32
    %dma_start3A_38 = tpu.memref_slice %arg2[%dma_start3A_36, %dma_start3A_37] : memref<8192x128xf32, #tpu.memory_space<hbm>> -> memref<8192x128xf32, #tpu.memory_space<hbm>>
    tpu.enqueue_indirect_dma source(%dma_start3A_38 : memref<8192x128xf32, #tpu.memory_space<hbm>>) target(%dma_start3A_32 : memref<128x128xf32, #tpu.memory_space<vmem>>) offsets(%dma_start3A_35 : memref<128xi32, #tpu.memory_space<vmem>>) semaphore(%arg7 : memref<!tpu.dma_semaphore, #tpu.memory_space<semaphore_mem>>)
    %dma_wait3A = arith.constant 0 : i32
    %dma_wait3A_39 = arith.constant 0 : i32
    %dma_wait3A_40 = arith.constant 0 : i32
    %dma_wait3A_41 = tpu.memref_slice %arg6[%dma_wait3A_39, %dma_wait3A_40] : memref<512x128xf32, #tpu.memory_space<vmem>> -> memref<128x128xf32, #tpu.memory_space<vmem>>
    %dma_wait3A_42 = arith.constant 0 : i32
    %dma_wait3A_43 = tpu.memref_slice %arg5[%dma_wait3A, %dma_wait3A_42] : memref<16x128xi32, #tpu.memory_space<vmem>> -> memref<1x128xi32, #tpu.memory_space<vmem>>
    %dma_wait3A_44 = tpu.memref_squeeze %dma_wait3A_43 : memref<1x128xi32, #tpu.memory_space<vmem>> -> memref<128xi32, #tpu.memory_space<vmem>>
    %dma_wait3A_45 = arith.constant 0 : i32
    %dma_wait3A_46 = arith.constant 0 : i32
    %dma_wait3A_47 = tpu.memref_slice %arg2[%dma_wait3A_45, %dma_wait3A_46] : memref<8192x128xf32, #tpu.memory_space<hbm>> -> memref<8192x128xf32, #tpu.memory_space<hbm>>
    tpu.wait_indirect_dma semaphore(%arg7 : memref<!tpu.dma_semaphore, #tpu.memory_space<semaphore_mem>>) src(%dma_wait3A_47 : memref<8192x128xf32, #tpu.memory_space<hbm>>) dst(%dma_wait3A_41 : memref<128x128xf32, #tpu.memory_space<vmem>>)
    %dma_wait3A_48 = arith.constant 1 : i32
    %dma_wait3A_49 = arith.constant 128 : i32
    %dma_wait3A_50 = arith.constant 0 : i32
    %dma_wait3A_51 = tpu.memref_slice %arg6[%dma_wait3A_49, %dma_wait3A_50] : memref<512x128xf32, #tpu.memory_space<vmem>> -> memref<128x128xf32, #tpu.memory_space<vmem>>
    %dma_wait3A_52 = arith.constant 0 : i32
    %dma_wait3A_53 = tpu.memref_slice %arg5[%dma_wait3A_48, %dma_wait3A_52] : memref<16x128xi32, #tpu.memory_space<vmem>> -> memref<1x128xi32, #tpu.memory_space<vmem>>
    %dma_wait3A_54 = tpu.memref_squeeze %dma_wait3A_53 : memref<1x128xi32, #tpu.memory_space<vmem>> -> memref<128xi32, #tpu.memory_space<vmem>>
    %dma_wait3A_55 = arith.constant 0 : i32
    %dma_wait3A_56 = arith.constant 0 : i32
    %dma_wait3A_57 = tpu.memref_slice %arg2[%dma_wait3A_55, %dma_wait3A_56] : memref<8192x128xf32, #tpu.memory_space<hbm>> -> memref<8192x128xf32, #tpu.memory_space<hbm>>
    tpu.wait_indirect_dma semaphore(%arg7 : memref<!tpu.dma_semaphore, #tpu.memory_space<semaphore_mem>>) src(%dma_wait3A_57 : memref<8192x128xf32, #tpu.memory_space<hbm>>) dst(%dma_wait3A_51 : memref<128x128xf32, #tpu.memory_space<vmem>>)
    %dma_wait3A_58 = arith.constant 2 : i32
    %dma_wait3A_59 = arith.constant 256 : i32
    %dma_wait3A_60 = arith.constant 0 : i32
    %dma_wait3A_61 = tpu.memref_slice %arg6[%dma_wait3A_59, %dma_wait3A_60] : memref<512x128xf32, #tpu.memory_space<vmem>> -> memref<128x128xf32, #tpu.memory_space<vmem>>
    %dma_wait3A_62 = arith.constant 0 : i32
    %dma_wait3A_63 = tpu.memref_slice %arg5[%dma_wait3A_58, %dma_wait3A_62] : memref<16x128xi32, #tpu.memory_space<vmem>> -> memref<1x128xi32, #tpu.memory_space<vmem>>
    %dma_wait3A_64 = tpu.memref_squeeze %dma_wait3A_63 : memref<1x128xi32, #tpu.memory_space<vmem>> -> memref<128xi32, #tpu.memory_space<vmem>>
    %dma_wait3A_65 = arith.constant 0 : i32
    %dma_wait3A_66 = arith.constant 0 : i32
    %dma_wait3A_67 = tpu.memref_slice %arg2[%dma_wait3A_65, %dma_wait3A_66] : memref<8192x128xf32, #tpu.memory_space<hbm>> -> memref<8192x128xf32, #tpu.memory_space<hbm>>
    tpu.wait_indirect_dma semaphore(%arg7 : memref<!tpu.dma_semaphore, #tpu.memory_space<semaphore_mem>>) src(%dma_wait3A_67 : memref<8192x128xf32, #tpu.memory_space<hbm>>) dst(%dma_wait3A_61 : memref<128x128xf32, #tpu.memory_space<vmem>>)
    %dma_wait3A_68 = arith.constant 3 : i32
    %dma_wait3A_69 = arith.constant 384 : i32
    %dma_wait3A_70 = arith.constant 0 : i32
    %dma_wait3A_71 = tpu.memref_slice %arg6[%dma_wait3A_69, %dma_wait3A_70] : memref<512x128xf32, #tpu.memory_space<vmem>> -> memref<128x128xf32, #tpu.memory_space<vmem>>
    %dma_wait3A_72 = arith.constant 0 : i32
    %dma_wait3A_73 = tpu.memref_slice %arg5[%dma_wait3A_68, %dma_wait3A_72] : memref<16x128xi32, #tpu.memory_space<vmem>> -> memref<1x128xi32, #tpu.memory_space<vmem>>
    %dma_wait3A_74 = tpu.memref_squeeze %dma_wait3A_73 : memref<1x128xi32, #tpu.memory_space<vmem>> -> memref<128xi32, #tpu.memory_space<vmem>>
    %dma_wait3A_75 = arith.constant 0 : i32
    %dma_wait3A_76 = arith.constant 0 : i32
    %dma_wait3A_77 = tpu.memref_slice %arg2[%dma_wait3A_75, %dma_wait3A_76] : memref<8192x128xf32, #tpu.memory_space<hbm>> -> memref<8192x128xf32, #tpu.memory_space<hbm>>
    tpu.wait_indirect_dma semaphore(%arg7 : memref<!tpu.dma_semaphore, #tpu.memory_space<semaphore_mem>>) src(%dma_wait3A_77 : memref<8192x128xf32, #tpu.memory_space<hbm>>) dst(%dma_wait3A_71 : memref<128x128xf32, #tpu.memory_space<vmem>>)
    %mul3A = arith.constant 2048 : i32
    %mul3A_78 = arith.muli %add3A, %mul3A : i32
    %add3A_79 = arith.constant 0 : i32
    %add3A_80 = arith.addi %mul3A_78, %add3A_79 : i32
    "tpu.region"() ({
      %run_scoped3A = tpu.sem_alloc : memref<!tpu.dma_semaphore, #tpu.memory_space<semaphore_mem>>
      %dma_start3A_333 = arith.constant 0 : i32
      %dma_start3A_334 = tpu.memref_slice %arg4[%add3A_80, %dma_start3A_333] : memref<32768x128xf32, #tpu.memory_space<hbm>> -> memref<512x128xf32, #tpu.memory_space<hbm>>
      %dma_start3A_335 = arith.constant 0 : i32
      %dma_start3A_336 = tpu.memref_slice %arg4[%add3A_80, %dma_start3A_335] : memref<32768x128xf32, #tpu.memory_space<hbm>> -> memref<512x128xf32, #tpu.memory_space<hbm>>
      tpu.enqueue_dma source(%arg6 : memref<512x128xf32, #tpu.memory_space<vmem>>) target(%dma_start3A_336 : memref<512x128xf32, #tpu.memory_space<hbm>>) target_semaphore(%run_scoped3A : memref<!tpu.dma_semaphore, #tpu.memory_space<semaphore_mem>>)
      %dma_wait3A_337 = arith.constant 0 : i32
      %dma_wait3A_338 = tpu.memref_slice %arg4[%add3A_80, %dma_wait3A_337] : memref<32768x128xf32, #tpu.memory_space<hbm>> -> memref<512x128xf32, #tpu.memory_space<hbm>>
      %dma_wait3A_339 = arith.constant 0 : i32
      %dma_wait3A_340 = tpu.memref_slice %arg4[%add3A_80, %dma_wait3A_339] : memref<32768x128xf32, #tpu.memory_space<hbm>> -> memref<512x128xf32, #tpu.memory_space<hbm>>
      tpu.wait_dma2 semaphore(%run_scoped3A : memref<!tpu.dma_semaphore, #tpu.memory_space<semaphore_mem>>) src(%arg6 : memref<512x128xf32, #tpu.memory_space<vmem>>) dst(%dma_wait3A_340 : memref<512x128xf32, #tpu.memory_space<hbm>>)
      tpu.yield
    }) : () -> ()
    %dma_start3A_81 = arith.constant 4 : i32
    %dma_start3A_82 = arith.constant 0 : i32
    %dma_start3A_83 = arith.constant 0 : i32
    %dma_start3A_84 = tpu.memref_slice %arg6[%dma_start3A_82, %dma_start3A_83] : memref<512x128xf32, #tpu.memory_space<vmem>> -> memref<128x128xf32, #tpu.memory_space<vmem>>
    %dma_start3A_85 = arith.constant 0 : i32
    %dma_start3A_86 = tpu.memref_slice %arg5[%dma_start3A_81, %dma_start3A_85] : memref<16x128xi32, #tpu.memory_space<vmem>> -> memref<1x128xi32, #tpu.memory_space<vmem>>
    %dma_start3A_87 = tpu.memref_squeeze %dma_start3A_86 : memref<1x128xi32, #tpu.memory_space<vmem>> -> memref<128xi32, #tpu.memory_space<vmem>>
    %dma_start3A_88 = arith.constant 0 : i32
    %dma_start3A_89 = arith.constant 0 : i32
    %dma_start3A_90 = tpu.memref_slice %arg2[%dma_start3A_88, %dma_start3A_89] : memref<8192x128xf32, #tpu.memory_space<hbm>> -> memref<8192x128xf32, #tpu.memory_space<hbm>>
    tpu.enqueue_indirect_dma source(%dma_start3A_90 : memref<8192x128xf32, #tpu.memory_space<hbm>>) target(%dma_start3A_84 : memref<128x128xf32, #tpu.memory_space<vmem>>) offsets(%dma_start3A_87 : memref<128xi32, #tpu.memory_space<vmem>>) semaphore(%arg7 : memref<!tpu.dma_semaphore, #tpu.memory_space<semaphore_mem>>)
    %dma_start3A_91 = arith.constant 5 : i32
    %dma_start3A_92 = arith.constant 128 : i32
    %dma_start3A_93 = arith.constant 0 : i32
    %dma_start3A_94 = tpu.memref_slice %arg6[%dma_start3A_92, %dma_start3A_93] : memref<512x128xf32, #tpu.memory_space<vmem>> -> memref<128x128xf32, #tpu.memory_space<vmem>>
    %dma_start3A_95 = arith.constant 0 : i32
    %dma_start3A_96 = tpu.memref_slice %arg5[%dma_start3A_91, %dma_start3A_95] : memref<16x128xi32, #tpu.memory_space<vmem>> -> memref<1x128xi32, #tpu.memory_space<vmem>>
    %dma_start3A_97 = tpu.memref_squeeze %dma_start3A_96 : memref<1x128xi32, #tpu.memory_space<vmem>> -> memref<128xi32, #tpu.memory_space<vmem>>
    %dma_start3A_98 = arith.constant 0 : i32
    %dma_start3A_99 = arith.constant 0 : i32
    %dma_start3A_100 = tpu.memref_slice %arg2[%dma_start3A_98, %dma_start3A_99] : memref<8192x128xf32, #tpu.memory_space<hbm>> -> memref<8192x128xf32, #tpu.memory_space<hbm>>
    tpu.enqueue_indirect_dma source(%dma_start3A_100 : memref<8192x128xf32, #tpu.memory_space<hbm>>) target(%dma_start3A_94 : memref<128x128xf32, #tpu.memory_space<vmem>>) offsets(%dma_start3A_97 : memref<128xi32, #tpu.memory_space<vmem>>) semaphore(%arg7 : memref<!tpu.dma_semaphore, #tpu.memory_space<semaphore_mem>>)
    %dma_start3A_101 = arith.constant 6 : i32
    %dma_start3A_102 = arith.constant 256 : i32
    %dma_start3A_103 = arith.constant 0 : i32
    %dma_start3A_104 = tpu.memref_slice %arg6[%dma_start3A_102, %dma_start3A_103] : memref<512x128xf32, #tpu.memory_space<vmem>> -> memref<128x128xf32, #tpu.memory_space<vmem>>
    %dma_start3A_105 = arith.constant 0 : i32
    %dma_start3A_106 = tpu.memref_slice %arg5[%dma_start3A_101, %dma_start3A_105] : memref<16x128xi32, #tpu.memory_space<vmem>> -> memref<1x128xi32, #tpu.memory_space<vmem>>
    %dma_start3A_107 = tpu.memref_squeeze %dma_start3A_106 : memref<1x128xi32, #tpu.memory_space<vmem>> -> memref<128xi32, #tpu.memory_space<vmem>>
    %dma_start3A_108 = arith.constant 0 : i32
    %dma_start3A_109 = arith.constant 0 : i32
    %dma_start3A_110 = tpu.memref_slice %arg2[%dma_start3A_108, %dma_start3A_109] : memref<8192x128xf32, #tpu.memory_space<hbm>> -> memref<8192x128xf32, #tpu.memory_space<hbm>>
    tpu.enqueue_indirect_dma source(%dma_start3A_110 : memref<8192x128xf32, #tpu.memory_space<hbm>>) target(%dma_start3A_104 : memref<128x128xf32, #tpu.memory_space<vmem>>) offsets(%dma_start3A_107 : memref<128xi32, #tpu.memory_space<vmem>>) semaphore(%arg7 : memref<!tpu.dma_semaphore, #tpu.memory_space<semaphore_mem>>)
    %dma_start3A_111 = arith.constant 7 : i32
    %dma_start3A_112 = arith.constant 384 : i32
    %dma_start3A_113 = arith.constant 0 : i32
    %dma_start3A_114 = tpu.memref_slice %arg6[%dma_start3A_112, %dma_start3A_113] : memref<512x128xf32, #tpu.memory_space<vmem>> -> memref<128x128xf32, #tpu.memory_space<vmem>>
    %dma_start3A_115 = arith.constant 0 : i32
    %dma_start3A_116 = tpu.memref_slice %arg5[%dma_start3A_111, %dma_start3A_115] : memref<16x128xi32, #tpu.memory_space<vmem>> -> memref<1x128xi32, #tpu.memory_space<vmem>>
    %dma_start3A_117 = tpu.memref_squeeze %dma_start3A_116 : memref<1x128xi32, #tpu.memory_space<vmem>> -> memref<128xi32, #tpu.memory_space<vmem>>
    %dma_start3A_118 = arith.constant 0 : i32
    %dma_start3A_119 = arith.constant 0 : i32
    %dma_start3A_120 = tpu.memref_slice %arg2[%dma_start3A_118, %dma_start3A_119] : memref<8192x128xf32, #tpu.memory_space<hbm>> -> memref<8192x128xf32, #tpu.memory_space<hbm>>
    tpu.enqueue_indirect_dma source(%dma_start3A_120 : memref<8192x128xf32, #tpu.memory_space<hbm>>) target(%dma_start3A_114 : memref<128x128xf32, #tpu.memory_space<vmem>>) offsets(%dma_start3A_117 : memref<128xi32, #tpu.memory_space<vmem>>) semaphore(%arg7 : memref<!tpu.dma_semaphore, #tpu.memory_space<semaphore_mem>>)
    %dma_wait3A_121 = arith.constant 4 : i32
    %dma_wait3A_122 = arith.constant 0 : i32
    %dma_wait3A_123 = arith.constant 0 : i32
    %dma_wait3A_124 = tpu.memref_slice %arg6[%dma_wait3A_122, %dma_wait3A_123] : memref<512x128xf32, #tpu.memory_space<vmem>> -> memref<128x128xf32, #tpu.memory_space<vmem>>
    %dma_wait3A_125 = arith.constant 0 : i32
    %dma_wait3A_126 = tpu.memref_slice %arg5[%dma_wait3A_121, %dma_wait3A_125] : memref<16x128xi32, #tpu.memory_space<vmem>> -> memref<1x128xi32, #tpu.memory_space<vmem>>
    %dma_wait3A_127 = tpu.memref_squeeze %dma_wait3A_126 : memref<1x128xi32, #tpu.memory_space<vmem>> -> memref<128xi32, #tpu.memory_space<vmem>>
    %dma_wait3A_128 = arith.constant 0 : i32
    %dma_wait3A_129 = arith.constant 0 : i32
    %dma_wait3A_130 = tpu.memref_slice %arg2[%dma_wait3A_128, %dma_wait3A_129] : memref<8192x128xf32, #tpu.memory_space<hbm>> -> memref<8192x128xf32, #tpu.memory_space<hbm>>
    tpu.wait_indirect_dma semaphore(%arg7 : memref<!tpu.dma_semaphore, #tpu.memory_space<semaphore_mem>>) src(%dma_wait3A_130 : memref<8192x128xf32, #tpu.memory_space<hbm>>) dst(%dma_wait3A_124 : memref<128x128xf32, #tpu.memory_space<vmem>>)
    %dma_wait3A_131 = arith.constant 5 : i32
    %dma_wait3A_132 = arith.constant 128 : i32
    %dma_wait3A_133 = arith.constant 0 : i32
    %dma_wait3A_134 = tpu.memref_slice %arg6[%dma_wait3A_132, %dma_wait3A_133] : memref<512x128xf32, #tpu.memory_space<vmem>> -> memref<128x128xf32, #tpu.memory_space<vmem>>
    %dma_wait3A_135 = arith.constant 0 : i32
    %dma_wait3A_136 = tpu.memref_slice %arg5[%dma_wait3A_131, %dma_wait3A_135] : memref<16x128xi32, #tpu.memory_space<vmem>> -> memref<1x128xi32, #tpu.memory_space<vmem>>
    %dma_wait3A_137 = tpu.memref_squeeze %dma_wait3A_136 : memref<1x128xi32, #tpu.memory_space<vmem>> -> memref<128xi32, #tpu.memory_space<vmem>>
    %dma_wait3A_138 = arith.constant 0 : i32
    %dma_wait3A_139 = arith.constant 0 : i32
    %dma_wait3A_140 = tpu.memref_slice %arg2[%dma_wait3A_138, %dma_wait3A_139] : memref<8192x128xf32, #tpu.memory_space<hbm>> -> memref<8192x128xf32, #tpu.memory_space<hbm>>
    tpu.wait_indirect_dma semaphore(%arg7 : memref<!tpu.dma_semaphore, #tpu.memory_space<semaphore_mem>>) src(%dma_wait3A_140 : memref<8192x128xf32, #tpu.memory_space<hbm>>) dst(%dma_wait3A_134 : memref<128x128xf32, #tpu.memory_space<vmem>>)
    %dma_wait3A_141 = arith.constant 6 : i32
    %dma_wait3A_142 = arith.constant 256 : i32
    %dma_wait3A_143 = arith.constant 0 : i32
    %dma_wait3A_144 = tpu.memref_slice %arg6[%dma_wait3A_142, %dma_wait3A_143] : memref<512x128xf32, #tpu.memory_space<vmem>> -> memref<128x128xf32, #tpu.memory_space<vmem>>
    %dma_wait3A_145 = arith.constant 0 : i32
    %dma_wait3A_146 = tpu.memref_slice %arg5[%dma_wait3A_141, %dma_wait3A_145] : memref<16x128xi32, #tpu.memory_space<vmem>> -> memref<1x128xi32, #tpu.memory_space<vmem>>
    %dma_wait3A_147 = tpu.memref_squeeze %dma_wait3A_146 : memref<1x128xi32, #tpu.memory_space<vmem>> -> memref<128xi32, #tpu.memory_space<vmem>>
    %dma_wait3A_148 = arith.constant 0 : i32
    %dma_wait3A_149 = arith.constant 0 : i32
    %dma_wait3A_150 = tpu.memref_slice %arg2[%dma_wait3A_148, %dma_wait3A_149] : memref<8192x128xf32, #tpu.memory_space<hbm>> -> memref<8192x128xf32, #tpu.memory_space<hbm>>
    tpu.wait_indirect_dma semaphore(%arg7 : memref<!tpu.dma_semaphore, #tpu.memory_space<semaphore_mem>>) src(%dma_wait3A_150 : memref<8192x128xf32, #tpu.memory_space<hbm>>) dst(%dma_wait3A_144 : memref<128x128xf32, #tpu.memory_space<vmem>>)
    %dma_wait3A_151 = arith.constant 7 : i32
    %dma_wait3A_152 = arith.constant 384 : i32
    %dma_wait3A_153 = arith.constant 0 : i32
    %dma_wait3A_154 = tpu.memref_slice %arg6[%dma_wait3A_152, %dma_wait3A_153] : memref<512x128xf32, #tpu.memory_space<vmem>> -> memref<128x128xf32, #tpu.memory_space<vmem>>
    %dma_wait3A_155 = arith.constant 0 : i32
    %dma_wait3A_156 = tpu.memref_slice %arg5[%dma_wait3A_151, %dma_wait3A_155] : memref<16x128xi32, #tpu.memory_space<vmem>> -> memref<1x128xi32, #tpu.memory_space<vmem>>
    %dma_wait3A_157 = tpu.memref_squeeze %dma_wait3A_156 : memref<1x128xi32, #tpu.memory_space<vmem>> -> memref<128xi32, #tpu.memory_space<vmem>>
    %dma_wait3A_158 = arith.constant 0 : i32
    %dma_wait3A_159 = arith.constant 0 : i32
    %dma_wait3A_160 = tpu.memref_slice %arg2[%dma_wait3A_158, %dma_wait3A_159] : memref<8192x128xf32, #tpu.memory_space<hbm>> -> memref<8192x128xf32, #tpu.memory_space<hbm>>
    tpu.wait_indirect_dma semaphore(%arg7 : memref<!tpu.dma_semaphore, #tpu.memory_space<semaphore_mem>>) src(%dma_wait3A_160 : memref<8192x128xf32, #tpu.memory_space<hbm>>) dst(%dma_wait3A_154 : memref<128x128xf32, #tpu.memory_space<vmem>>)
    %mul3A_161 = arith.constant 2048 : i32
    %mul3A_162 = arith.muli %add3A, %mul3A_161 : i32
    %add3A_163 = arith.constant 512 : i32
    %add3A_164 = arith.addi %mul3A_162, %add3A_163 : i32
    "tpu.region"() ({
      %run_scoped3A = tpu.sem_alloc : memref<!tpu.dma_semaphore, #tpu.memory_space<semaphore_mem>>
      %dma_start3A_333 = arith.constant 0 : i32
      %dma_start3A_334 = tpu.memref_slice %arg4[%add3A_164, %dma_start3A_333] : memref<32768x128xf32, #tpu.memory_space<hbm>> -> memref<512x128xf32, #tpu.memory_space<hbm>>
      %dma_start3A_335 = arith.constant 0 : i32
      %dma_start3A_336 = tpu.memref_slice %arg4[%add3A_164, %dma_start3A_335] : memref<32768x128xf32, #tpu.memory_space<hbm>> -> memref<512x128xf32, #tpu.memory_space<hbm>>
      tpu.enqueue_dma source(%arg6 : memref<512x128xf32, #tpu.memory_space<vmem>>) target(%dma_start3A_336 : memref<512x128xf32, #tpu.memory_space<hbm>>) target_semaphore(%run_scoped3A : memref<!tpu.dma_semaphore, #tpu.memory_space<semaphore_mem>>)
      %dma_wait3A_337 = arith.constant 0 : i32
      %dma_wait3A_338 = tpu.memref_slice %arg4[%add3A_164, %dma_wait3A_337] : memref<32768x128xf32, #tpu.memory_space<hbm>> -> memref<512x128xf32, #tpu.memory_space<hbm>>
      %dma_wait3A_339 = arith.constant 0 : i32
      %dma_wait3A_340 = tpu.memref_slice %arg4[%add3A_164, %dma_wait3A_339] : memref<32768x128xf32, #tpu.memory_space<hbm>> -> memref<512x128xf32, #tpu.memory_space<hbm>>
      tpu.wait_dma2 semaphore(%run_scoped3A : memref<!tpu.dma_semaphore, #tpu.memory_space<semaphore_mem>>) src(%arg6 : memref<512x128xf32, #tpu.memory_space<vmem>>) dst(%dma_wait3A_340 : memref<512x128xf32, #tpu.memory_space<hbm>>)
      tpu.yield
    }) : () -> ()
    %dma_start3A_165 = arith.constant 8 : i32
    %dma_start3A_166 = arith.constant 0 : i32
    %dma_start3A_167 = arith.constant 0 : i32
    %dma_start3A_168 = tpu.memref_slice %arg6[%dma_start3A_166, %dma_start3A_167] : memref<512x128xf32, #tpu.memory_space<vmem>> -> memref<128x128xf32, #tpu.memory_space<vmem>>
    %dma_start3A_169 = arith.constant 0 : i32
    %dma_start3A_170 = tpu.memref_slice %arg5[%dma_start3A_165, %dma_start3A_169] : memref<16x128xi32, #tpu.memory_space<vmem>> -> memref<1x128xi32, #tpu.memory_space<vmem>>
    %dma_start3A_171 = tpu.memref_squeeze %dma_start3A_170 : memref<1x128xi32, #tpu.memory_space<vmem>> -> memref<128xi32, #tpu.memory_space<vmem>>
    %dma_start3A_172 = arith.constant 0 : i32
    %dma_start3A_173 = arith.constant 0 : i32
    %dma_start3A_174 = tpu.memref_slice %arg2[%dma_start3A_172, %dma_start3A_173] : memref<8192x128xf32, #tpu.memory_space<hbm>> -> memref<8192x128xf32, #tpu.memory_space<hbm>>
    tpu.enqueue_indirect_dma source(%dma_start3A_174 : memref<8192x128xf32, #tpu.memory_space<hbm>>) target(%dma_start3A_168 : memref<128x128xf32, #tpu.memory_space<vmem>>) offsets(%dma_start3A_171 : memref<128xi32, #tpu.memory_space<vmem>>) semaphore(%arg7 : memref<!tpu.dma_semaphore, #tpu.memory_space<semaphore_mem>>)
    %dma_start3A_175 = arith.constant 9 : i32
    %dma_start3A_176 = arith.constant 128 : i32
    %dma_start3A_177 = arith.constant 0 : i32
    %dma_start3A_178 = tpu.memref_slice %arg6[%dma_start3A_176, %dma_start3A_177] : memref<512x128xf32, #tpu.memory_space<vmem>> -> memref<128x128xf32, #tpu.memory_space<vmem>>
    %dma_start3A_179 = arith.constant 0 : i32
    %dma_start3A_180 = tpu.memref_slice %arg5[%dma_start3A_175, %dma_start3A_179] : memref<16x128xi32, #tpu.memory_space<vmem>> -> memref<1x128xi32, #tpu.memory_space<vmem>>
    %dma_start3A_181 = tpu.memref_squeeze %dma_start3A_180 : memref<1x128xi32, #tpu.memory_space<vmem>> -> memref<128xi32, #tpu.memory_space<vmem>>
    %dma_start3A_182 = arith.constant 0 : i32
    %dma_start3A_183 = arith.constant 0 : i32
    %dma_start3A_184 = tpu.memref_slice %arg2[%dma_start3A_182, %dma_start3A_183] : memref<8192x128xf32, #tpu.memory_space<hbm>> -> memref<8192x128xf32, #tpu.memory_space<hbm>>
    tpu.enqueue_indirect_dma source(%dma_start3A_184 : memref<8192x128xf32, #tpu.memory_space<hbm>>) target(%dma_start3A_178 : memref<128x128xf32, #tpu.memory_space<vmem>>) offsets(%dma_start3A_181 : memref<128xi32, #tpu.memory_space<vmem>>) semaphore(%arg7 : memref<!tpu.dma_semaphore, #tpu.memory_space<semaphore_mem>>)
    %dma_start3A_185 = arith.constant 10 : i32
    %dma_start3A_186 = arith.constant 256 : i32
    %dma_start3A_187 = arith.constant 0 : i32
    %dma_start3A_188 = tpu.memref_slice %arg6[%dma_start3A_186, %dma_start3A_187] : memref<512x128xf32, #tpu.memory_space<vmem>> -> memref<128x128xf32, #tpu.memory_space<vmem>>
    %dma_start3A_189 = arith.constant 0 : i32
    %dma_start3A_190 = tpu.memref_slice %arg5[%dma_start3A_185, %dma_start3A_189] : memref<16x128xi32, #tpu.memory_space<vmem>> -> memref<1x128xi32, #tpu.memory_space<vmem>>
    %dma_start3A_191 = tpu.memref_squeeze %dma_start3A_190 : memref<1x128xi32, #tpu.memory_space<vmem>> -> memref<128xi32, #tpu.memory_space<vmem>>
    %dma_start3A_192 = arith.constant 0 : i32
    %dma_start3A_193 = arith.constant 0 : i32
    %dma_start3A_194 = tpu.memref_slice %arg2[%dma_start3A_192, %dma_start3A_193] : memref<8192x128xf32, #tpu.memory_space<hbm>> -> memref<8192x128xf32, #tpu.memory_space<hbm>>
    tpu.enqueue_indirect_dma source(%dma_start3A_194 : memref<8192x128xf32, #tpu.memory_space<hbm>>) target(%dma_start3A_188 : memref<128x128xf32, #tpu.memory_space<vmem>>) offsets(%dma_start3A_191 : memref<128xi32, #tpu.memory_space<vmem>>) semaphore(%arg7 : memref<!tpu.dma_semaphore, #tpu.memory_space<semaphore_mem>>)
    %dma_start3A_195 = arith.constant 11 : i32
    %dma_start3A_196 = arith.constant 384 : i32
    %dma_start3A_197 = arith.constant 0 : i32
    %dma_start3A_198 = tpu.memref_slice %arg6[%dma_start3A_196, %dma_start3A_197] : memref<512x128xf32, #tpu.memory_space<vmem>> -> memref<128x128xf32, #tpu.memory_space<vmem>>
    %dma_start3A_199 = arith.constant 0 : i32
    %dma_start3A_200 = tpu.memref_slice %arg5[%dma_start3A_195, %dma_start3A_199] : memref<16x128xi32, #tpu.memory_space<vmem>> -> memref<1x128xi32, #tpu.memory_space<vmem>>
    %dma_start3A_201 = tpu.memref_squeeze %dma_start3A_200 : memref<1x128xi32, #tpu.memory_space<vmem>> -> memref<128xi32, #tpu.memory_space<vmem>>
    %dma_start3A_202 = arith.constant 0 : i32
    %dma_start3A_203 = arith.constant 0 : i32
    %dma_start3A_204 = tpu.memref_slice %arg2[%dma_start3A_202, %dma_start3A_203] : memref<8192x128xf32, #tpu.memory_space<hbm>> -> memref<8192x128xf32, #tpu.memory_space<hbm>>
    tpu.enqueue_indirect_dma source(%dma_start3A_204 : memref<8192x128xf32, #tpu.memory_space<hbm>>) target(%dma_start3A_198 : memref<128x128xf32, #tpu.memory_space<vmem>>) offsets(%dma_start3A_201 : memref<128xi32, #tpu.memory_space<vmem>>) semaphore(%arg7 : memref<!tpu.dma_semaphore, #tpu.memory_space<semaphore_mem>>)
    %dma_wait3A_205 = arith.constant 8 : i32
    %dma_wait3A_206 = arith.constant 0 : i32
    %dma_wait3A_207 = arith.constant 0 : i32
    %dma_wait3A_208 = tpu.memref_slice %arg6[%dma_wait3A_206, %dma_wait3A_207] : memref<512x128xf32, #tpu.memory_space<vmem>> -> memref<128x128xf32, #tpu.memory_space<vmem>>
    %dma_wait3A_209 = arith.constant 0 : i32
    %dma_wait3A_210 = tpu.memref_slice %arg5[%dma_wait3A_205, %dma_wait3A_209] : memref<16x128xi32, #tpu.memory_space<vmem>> -> memref<1x128xi32, #tpu.memory_space<vmem>>
    %dma_wait3A_211 = tpu.memref_squeeze %dma_wait3A_210 : memref<1x128xi32, #tpu.memory_space<vmem>> -> memref<128xi32, #tpu.memory_space<vmem>>
    %dma_wait3A_212 = arith.constant 0 : i32
    %dma_wait3A_213 = arith.constant 0 : i32
    %dma_wait3A_214 = tpu.memref_slice %arg2[%dma_wait3A_212, %dma_wait3A_213] : memref<8192x128xf32, #tpu.memory_space<hbm>> -> memref<8192x128xf32, #tpu.memory_space<hbm>>
    tpu.wait_indirect_dma semaphore(%arg7 : memref<!tpu.dma_semaphore, #tpu.memory_space<semaphore_mem>>) src(%dma_wait3A_214 : memref<8192x128xf32, #tpu.memory_space<hbm>>) dst(%dma_wait3A_208 : memref<128x128xf32, #tpu.memory_space<vmem>>)
    %dma_wait3A_215 = arith.constant 9 : i32
    %dma_wait3A_216 = arith.constant 128 : i32
    %dma_wait3A_217 = arith.constant 0 : i32
    %dma_wait3A_218 = tpu.memref_slice %arg6[%dma_wait3A_216, %dma_wait3A_217] : memref<512x128xf32, #tpu.memory_space<vmem>> -> memref<128x128xf32, #tpu.memory_space<vmem>>
    %dma_wait3A_219 = arith.constant 0 : i32
    %dma_wait3A_220 = tpu.memref_slice %arg5[%dma_wait3A_215, %dma_wait3A_219] : memref<16x128xi32, #tpu.memory_space<vmem>> -> memref<1x128xi32, #tpu.memory_space<vmem>>
    %dma_wait3A_221 = tpu.memref_squeeze %dma_wait3A_220 : memref<1x128xi32, #tpu.memory_space<vmem>> -> memref<128xi32, #tpu.memory_space<vmem>>
    %dma_wait3A_222 = arith.constant 0 : i32
    %dma_wait3A_223 = arith.constant 0 : i32
    %dma_wait3A_224 = tpu.memref_slice %arg2[%dma_wait3A_222, %dma_wait3A_223] : memref<8192x128xf32, #tpu.memory_space<hbm>> -> memref<8192x128xf32, #tpu.memory_space<hbm>>
    tpu.wait_indirect_dma semaphore(%arg7 : memref<!tpu.dma_semaphore, #tpu.memory_space<semaphore_mem>>) src(%dma_wait3A_224 : memref<8192x128xf32, #tpu.memory_space<hbm>>) dst(%dma_wait3A_218 : memref<128x128xf32, #tpu.memory_space<vmem>>)
    %dma_wait3A_225 = arith.constant 10 : i32
    %dma_wait3A_226 = arith.constant 256 : i32
    %dma_wait3A_227 = arith.constant 0 : i32
    %dma_wait3A_228 = tpu.memref_slice %arg6[%dma_wait3A_226, %dma_wait3A_227] : memref<512x128xf32, #tpu.memory_space<vmem>> -> memref<128x128xf32, #tpu.memory_space<vmem>>
    %dma_wait3A_229 = arith.constant 0 : i32
    %dma_wait3A_230 = tpu.memref_slice %arg5[%dma_wait3A_225, %dma_wait3A_229] : memref<16x128xi32, #tpu.memory_space<vmem>> -> memref<1x128xi32, #tpu.memory_space<vmem>>
    %dma_wait3A_231 = tpu.memref_squeeze %dma_wait3A_230 : memref<1x128xi32, #tpu.memory_space<vmem>> -> memref<128xi32, #tpu.memory_space<vmem>>
    %dma_wait3A_232 = arith.constant 0 : i32
    %dma_wait3A_233 = arith.constant 0 : i32
    %dma_wait3A_234 = tpu.memref_slice %arg2[%dma_wait3A_232, %dma_wait3A_233] : memref<8192x128xf32, #tpu.memory_space<hbm>> -> memref<8192x128xf32, #tpu.memory_space<hbm>>
    tpu.wait_indirect_dma semaphore(%arg7 : memref<!tpu.dma_semaphore, #tpu.memory_space<semaphore_mem>>) src(%dma_wait3A_234 : memref<8192x128xf32, #tpu.memory_space<hbm>>) dst(%dma_wait3A_228 : memref<128x128xf32, #tpu.memory_space<vmem>>)
    %dma_wait3A_235 = arith.constant 11 : i32
    %dma_wait3A_236 = arith.constant 384 : i32
    %dma_wait3A_237 = arith.constant 0 : i32
    %dma_wait3A_238 = tpu.memref_slice %arg6[%dma_wait3A_236, %dma_wait3A_237] : memref<512x128xf32, #tpu.memory_space<vmem>> -> memref<128x128xf32, #tpu.memory_space<vmem>>
    %dma_wait3A_239 = arith.constant 0 : i32
    %dma_wait3A_240 = tpu.memref_slice %arg5[%dma_wait3A_235, %dma_wait3A_239] : memref<16x128xi32, #tpu.memory_space<vmem>> -> memref<1x128xi32, #tpu.memory_space<vmem>>
    %dma_wait3A_241 = tpu.memref_squeeze %dma_wait3A_240 : memref<1x128xi32, #tpu.memory_space<vmem>> -> memref<128xi32, #tpu.memory_space<vmem>>
    %dma_wait3A_242 = arith.constant 0 : i32
    %dma_wait3A_243 = arith.constant 0 : i32
    %dma_wait3A_244 = tpu.memref_slice %arg2[%dma_wait3A_242, %dma_wait3A_243] : memref<8192x128xf32, #tpu.memory_space<hbm>> -> memref<8192x128xf32, #tpu.memory_space<hbm>>
    tpu.wait_indirect_dma semaphore(%arg7 : memref<!tpu.dma_semaphore, #tpu.memory_space<semaphore_mem>>) src(%dma_wait3A_244 : memref<8192x128xf32, #tpu.memory_space<hbm>>) dst(%dma_wait3A_238 : memref<128x128xf32, #tpu.memory_space<vmem>>)
    %mul3A_245 = arith.constant 2048 : i32
    %mul3A_246 = arith.muli %add3A, %mul3A_245 : i32
    %add3A_247 = arith.constant 1024 : i32
    %add3A_248 = arith.addi %mul3A_246, %add3A_247 : i32
    "tpu.region"() ({
      %run_scoped3A = tpu.sem_alloc : memref<!tpu.dma_semaphore, #tpu.memory_space<semaphore_mem>>
      %dma_start3A_333 = arith.constant 0 : i32
      %dma_start3A_334 = tpu.memref_slice %arg4[%add3A_248, %dma_start3A_333] : memref<32768x128xf32, #tpu.memory_space<hbm>> -> memref<512x128xf32, #tpu.memory_space<hbm>>
      %dma_start3A_335 = arith.constant 0 : i32
      %dma_start3A_336 = tpu.memref_slice %arg4[%add3A_248, %dma_start3A_335] : memref<32768x128xf32, #tpu.memory_space<hbm>> -> memref<512x128xf32, #tpu.memory_space<hbm>>
      tpu.enqueue_dma source(%arg6 : memref<512x128xf32, #tpu.memory_space<vmem>>) target(%dma_start3A_336 : memref<512x128xf32, #tpu.memory_space<hbm>>) target_semaphore(%run_scoped3A : memref<!tpu.dma_semaphore, #tpu.memory_space<semaphore_mem>>)
      %dma_wait3A_337 = arith.constant 0 : i32
      %dma_wait3A_338 = tpu.memref_slice %arg4[%add3A_248, %dma_wait3A_337] : memref<32768x128xf32, #tpu.memory_space<hbm>> -> memref<512x128xf32, #tpu.memory_space<hbm>>
      %dma_wait3A_339 = arith.constant 0 : i32
      %dma_wait3A_340 = tpu.memref_slice %arg4[%add3A_248, %dma_wait3A_339] : memref<32768x128xf32, #tpu.memory_space<hbm>> -> memref<512x128xf32, #tpu.memory_space<hbm>>
      tpu.wait_dma2 semaphore(%run_scoped3A : memref<!tpu.dma_semaphore, #tpu.memory_space<semaphore_mem>>) src(%arg6 : memref<512x128xf32, #tpu.memory_space<vmem>>) dst(%dma_wait3A_340 : memref<512x128xf32, #tpu.memory_space<hbm>>)
      tpu.yield
    }) : () -> ()
    %dma_start3A_249 = arith.constant 12 : i32
    %dma_start3A_250 = arith.constant 0 : i32
    %dma_start3A_251 = arith.constant 0 : i32
    %dma_start3A_252 = tpu.memref_slice %arg6[%dma_start3A_250, %dma_start3A_251] : memref<512x128xf32, #tpu.memory_space<vmem>> -> memref<128x128xf32, #tpu.memory_space<vmem>>
    %dma_start3A_253 = arith.constant 0 : i32
    %dma_start3A_254 = tpu.memref_slice %arg5[%dma_start3A_249, %dma_start3A_253] : memref<16x128xi32, #tpu.memory_space<vmem>> -> memref<1x128xi32, #tpu.memory_space<vmem>>
    %dma_start3A_255 = tpu.memref_squeeze %dma_start3A_254 : memref<1x128xi32, #tpu.memory_space<vmem>> -> memref<128xi32, #tpu.memory_space<vmem>>
    %dma_start3A_256 = arith.constant 0 : i32
    %dma_start3A_257 = arith.constant 0 : i32
    %dma_start3A_258 = tpu.memref_slice %arg2[%dma_start3A_256, %dma_start3A_257] : memref<8192x128xf32, #tpu.memory_space<hbm>> -> memref<8192x128xf32, #tpu.memory_space<hbm>>
    tpu.enqueue_indirect_dma source(%dma_start3A_258 : memref<8192x128xf32, #tpu.memory_space<hbm>>) target(%dma_start3A_252 : memref<128x128xf32, #tpu.memory_space<vmem>>) offsets(%dma_start3A_255 : memref<128xi32, #tpu.memory_space<vmem>>) semaphore(%arg7 : memref<!tpu.dma_semaphore, #tpu.memory_space<semaphore_mem>>)
    %dma_start3A_259 = arith.constant 13 : i32
    %dma_start3A_260 = arith.constant 128 : i32
    %dma_start3A_261 = arith.constant 0 : i32
    %dma_start3A_262 = tpu.memref_slice %arg6[%dma_start3A_260, %dma_start3A_261] : memref<512x128xf32, #tpu.memory_space<vmem>> -> memref<128x128xf32, #tpu.memory_space<vmem>>
    %dma_start3A_263 = arith.constant 0 : i32
    %dma_start3A_264 = tpu.memref_slice %arg5[%dma_start3A_259, %dma_start3A_263] : memref<16x128xi32, #tpu.memory_space<vmem>> -> memref<1x128xi32, #tpu.memory_space<vmem>>
    %dma_start3A_265 = tpu.memref_squeeze %dma_start3A_264 : memref<1x128xi32, #tpu.memory_space<vmem>> -> memref<128xi32, #tpu.memory_space<vmem>>
    %dma_start3A_266 = arith.constant 0 : i32
    %dma_start3A_267 = arith.constant 0 : i32
    %dma_start3A_268 = tpu.memref_slice %arg2[%dma_start3A_266, %dma_start3A_267] : memref<8192x128xf32, #tpu.memory_space<hbm>> -> memref<8192x128xf32, #tpu.memory_space<hbm>>
    tpu.enqueue_indirect_dma source(%dma_start3A_268 : memref<8192x128xf32, #tpu.memory_space<hbm>>) target(%dma_start3A_262 : memref<128x128xf32, #tpu.memory_space<vmem>>) offsets(%dma_start3A_265 : memref<128xi32, #tpu.memory_space<vmem>>) semaphore(%arg7 : memref<!tpu.dma_semaphore, #tpu.memory_space<semaphore_mem>>)
    %dma_start3A_269 = arith.constant 14 : i32
    %dma_start3A_270 = arith.constant 256 : i32
    %dma_start3A_271 = arith.constant 0 : i32
    %dma_start3A_272 = tpu.memref_slice %arg6[%dma_start3A_270, %dma_start3A_271] : memref<512x128xf32, #tpu.memory_space<vmem>> -> memref<128x128xf32, #tpu.memory_space<vmem>>
    %dma_start3A_273 = arith.constant 0 : i32
    %dma_start3A_274 = tpu.memref_slice %arg5[%dma_start3A_269, %dma_start3A_273] : memref<16x128xi32, #tpu.memory_space<vmem>> -> memref<1x128xi32, #tpu.memory_space<vmem>>
    %dma_start3A_275 = tpu.memref_squeeze %dma_start3A_274 : memref<1x128xi32, #tpu.memory_space<vmem>> -> memref<128xi32, #tpu.memory_space<vmem>>
    %dma_start3A_276 = arith.constant 0 : i32
    %dma_start3A_277 = arith.constant 0 : i32
    %dma_start3A_278 = tpu.memref_slice %arg2[%dma_start3A_276, %dma_start3A_277] : memref<8192x128xf32, #tpu.memory_space<hbm>> -> memref<8192x128xf32, #tpu.memory_space<hbm>>
    tpu.enqueue_indirect_dma source(%dma_start3A_278 : memref<8192x128xf32, #tpu.memory_space<hbm>>) target(%dma_start3A_272 : memref<128x128xf32, #tpu.memory_space<vmem>>) offsets(%dma_start3A_275 : memref<128xi32, #tpu.memory_space<vmem>>) semaphore(%arg7 : memref<!tpu.dma_semaphore, #tpu.memory_space<semaphore_mem>>)
    %dma_start3A_279 = arith.constant 15 : i32
    %dma_start3A_280 = arith.constant 384 : i32
    %dma_start3A_281 = arith.constant 0 : i32
    %dma_start3A_282 = tpu.memref_slice %arg6[%dma_start3A_280, %dma_start3A_281] : memref<512x128xf32, #tpu.memory_space<vmem>> -> memref<128x128xf32, #tpu.memory_space<vmem>>
    %dma_start3A_283 = arith.constant 0 : i32
    %dma_start3A_284 = tpu.memref_slice %arg5[%dma_start3A_279, %dma_start3A_283] : memref<16x128xi32, #tpu.memory_space<vmem>> -> memref<1x128xi32, #tpu.memory_space<vmem>>
    %dma_start3A_285 = tpu.memref_squeeze %dma_start3A_284 : memref<1x128xi32, #tpu.memory_space<vmem>> -> memref<128xi32, #tpu.memory_space<vmem>>
    %dma_start3A_286 = arith.constant 0 : i32
    %dma_start3A_287 = arith.constant 0 : i32
    %dma_start3A_288 = tpu.memref_slice %arg2[%dma_start3A_286, %dma_start3A_287] : memref<8192x128xf32, #tpu.memory_space<hbm>> -> memref<8192x128xf32, #tpu.memory_space<hbm>>
    tpu.enqueue_indirect_dma source(%dma_start3A_288 : memref<8192x128xf32, #tpu.memory_space<hbm>>) target(%dma_start3A_282 : memref<128x128xf32, #tpu.memory_space<vmem>>) offsets(%dma_start3A_285 : memref<128xi32, #tpu.memory_space<vmem>>) semaphore(%arg7 : memref<!tpu.dma_semaphore, #tpu.memory_space<semaphore_mem>>)
    %dma_wait3A_289 = arith.constant 12 : i32
    %dma_wait3A_290 = arith.constant 0 : i32
    %dma_wait3A_291 = arith.constant 0 : i32
    %dma_wait3A_292 = tpu.memref_slice %arg6[%dma_wait3A_290, %dma_wait3A_291] : memref<512x128xf32, #tpu.memory_space<vmem>> -> memref<128x128xf32, #tpu.memory_space<vmem>>
    %dma_wait3A_293 = arith.constant 0 : i32
    %dma_wait3A_294 = tpu.memref_slice %arg5[%dma_wait3A_289, %dma_wait3A_293] : memref<16x128xi32, #tpu.memory_space<vmem>> -> memref<1x128xi32, #tpu.memory_space<vmem>>
    %dma_wait3A_295 = tpu.memref_squeeze %dma_wait3A_294 : memref<1x128xi32, #tpu.memory_space<vmem>> -> memref<128xi32, #tpu.memory_space<vmem>>
    %dma_wait3A_296 = arith.constant 0 : i32
    %dma_wait3A_297 = arith.constant 0 : i32
    %dma_wait3A_298 = tpu.memref_slice %arg2[%dma_wait3A_296, %dma_wait3A_297] : memref<8192x128xf32, #tpu.memory_space<hbm>> -> memref<8192x128xf32, #tpu.memory_space<hbm>>
    tpu.wait_indirect_dma semaphore(%arg7 : memref<!tpu.dma_semaphore, #tpu.memory_space<semaphore_mem>>) src(%dma_wait3A_298 : memref<8192x128xf32, #tpu.memory_space<hbm>>) dst(%dma_wait3A_292 : memref<128x128xf32, #tpu.memory_space<vmem>>)
    %dma_wait3A_299 = arith.constant 13 : i32
    %dma_wait3A_300 = arith.constant 128 : i32
    %dma_wait3A_301 = arith.constant 0 : i32
    %dma_wait3A_302 = tpu.memref_slice %arg6[%dma_wait3A_300, %dma_wait3A_301] : memref<512x128xf32, #tpu.memory_space<vmem>> -> memref<128x128xf32, #tpu.memory_space<vmem>>
    %dma_wait3A_303 = arith.constant 0 : i32
    %dma_wait3A_304 = tpu.memref_slice %arg5[%dma_wait3A_299, %dma_wait3A_303] : memref<16x128xi32, #tpu.memory_space<vmem>> -> memref<1x128xi32, #tpu.memory_space<vmem>>
    %dma_wait3A_305 = tpu.memref_squeeze %dma_wait3A_304 : memref<1x128xi32, #tpu.memory_space<vmem>> -> memref<128xi32, #tpu.memory_space<vmem>>
    %dma_wait3A_306 = arith.constant 0 : i32
    %dma_wait3A_307 = arith.constant 0 : i32
    %dma_wait3A_308 = tpu.memref_slice %arg2[%dma_wait3A_306, %dma_wait3A_307] : memref<8192x128xf32, #tpu.memory_space<hbm>> -> memref<8192x128xf32, #tpu.memory_space<hbm>>
    tpu.wait_indirect_dma semaphore(%arg7 : memref<!tpu.dma_semaphore, #tpu.memory_space<semaphore_mem>>) src(%dma_wait3A_308 : memref<8192x128xf32, #tpu.memory_space<hbm>>) dst(%dma_wait3A_302 : memref<128x128xf32, #tpu.memory_space<vmem>>)
    %dma_wait3A_309 = arith.constant 14 : i32
    %dma_wait3A_310 = arith.constant 256 : i32
    %dma_wait3A_311 = arith.constant 0 : i32
    %dma_wait3A_312 = tpu.memref_slice %arg6[%dma_wait3A_310, %dma_wait3A_311] : memref<512x128xf32, #tpu.memory_space<vmem>> -> memref<128x128xf32, #tpu.memory_space<vmem>>
    %dma_wait3A_313 = arith.constant 0 : i32
    %dma_wait3A_314 = tpu.memref_slice %arg5[%dma_wait3A_309, %dma_wait3A_313] : memref<16x128xi32, #tpu.memory_space<vmem>> -> memref<1x128xi32, #tpu.memory_space<vmem>>
    %dma_wait3A_315 = tpu.memref_squeeze %dma_wait3A_314 : memref<1x128xi32, #tpu.memory_space<vmem>> -> memref<128xi32, #tpu.memory_space<vmem>>
    %dma_wait3A_316 = arith.constant 0 : i32
    %dma_wait3A_317 = arith.constant 0 : i32
    %dma_wait3A_318 = tpu.memref_slice %arg2[%dma_wait3A_316, %dma_wait3A_317] : memref<8192x128xf32, #tpu.memory_space<hbm>> -> memref<8192x128xf32, #tpu.memory_space<hbm>>
    tpu.wait_indirect_dma semaphore(%arg7 : memref<!tpu.dma_semaphore, #tpu.memory_space<semaphore_mem>>) src(%dma_wait3A_318 : memref<8192x128xf32, #tpu.memory_space<hbm>>) dst(%dma_wait3A_312 : memref<128x128xf32, #tpu.memory_space<vmem>>)
    %dma_wait3A_319 = arith.constant 15 : i32
    %dma_wait3A_320 = arith.constant 384 : i32
    %dma_wait3A_321 = arith.constant 0 : i32
    %dma_wait3A_322 = tpu.memref_slice %arg6[%dma_wait3A_320, %dma_wait3A_321] : memref<512x128xf32, #tpu.memory_space<vmem>> -> memref<128x128xf32, #tpu.memory_space<vmem>>
    %dma_wait3A_323 = arith.constant 0 : i32
    %dma_wait3A_324 = tpu.memref_slice %arg5[%dma_wait3A_319, %dma_wait3A_323] : memref<16x128xi32, #tpu.memory_space<vmem>> -> memref<1x128xi32, #tpu.memory_space<vmem>>
    %dma_wait3A_325 = tpu.memref_squeeze %dma_wait3A_324 : memref<1x128xi32, #tpu.memory_space<vmem>> -> memref<128xi32, #tpu.memory_space<vmem>>
    %dma_wait3A_326 = arith.constant 0 : i32
    %dma_wait3A_327 = arith.constant 0 : i32
    %dma_wait3A_328 = tpu.memref_slice %arg2[%dma_wait3A_326, %dma_wait3A_327] : memref<8192x128xf32, #tpu.memory_space<hbm>> -> memref<8192x128xf32, #tpu.memory_space<hbm>>
    tpu.wait_indirect_dma semaphore(%arg7 : memref<!tpu.dma_semaphore, #tpu.memory_space<semaphore_mem>>) src(%dma_wait3A_328 : memref<8192x128xf32, #tpu.memory_space<hbm>>) dst(%dma_wait3A_322 : memref<128x128xf32, #tpu.memory_space<vmem>>)
    %mul3A_329 = arith.constant 2048 : i32
    %mul3A_330 = arith.muli %add3A, %mul3A_329 : i32
    %add3A_331 = arith.constant 1536 : i32
    %add3A_332 = arith.addi %mul3A_330, %add3A_331 : i32
    "tpu.region"() ({
      %run_scoped3A = tpu.sem_alloc : memref<!tpu.dma_semaphore, #tpu.memory_space<semaphore_mem>>
      %dma_start3A_333 = arith.constant 0 : i32
      %dma_start3A_334 = tpu.memref_slice %arg4[%add3A_332, %dma_start3A_333] : memref<32768x128xf32, #tpu.memory_space<hbm>> -> memref<512x128xf32, #tpu.memory_space<hbm>>
      %dma_start3A_335 = arith.constant 0 : i32
      %dma_start3A_336 = tpu.memref_slice %arg4[%add3A_332, %dma_start3A_335] : memref<32768x128xf32, #tpu.memory_space<hbm>> -> memref<512x128xf32, #tpu.memory_space<hbm>>
      tpu.enqueue_dma source(%arg6 : memref<512x128xf32, #tpu.memory_space<vmem>>) target(%dma_start3A_336 : memref<512x128xf32, #tpu.memory_space<hbm>>) target_semaphore(%run_scoped3A : memref<!tpu.dma_semaphore, #tpu.memory_space<semaphore_mem>>)
      %dma_wait3A_337 = arith.constant 0 : i32
      %dma_wait3A_338 = tpu.memref_slice %arg4[%add3A_332, %dma_wait3A_337] : memref<32768x128xf32, #tpu.memory_space<hbm>> -> memref<512x128xf32, #tpu.memory_space<hbm>>
      %dma_wait3A_339 = arith.constant 0 : i32
      %dma_wait3A_340 = tpu.memref_slice %arg4[%add3A_332, %dma_wait3A_339] : memref<32768x128xf32, #tpu.memory_space<hbm>> -> memref<512x128xf32, #tpu.memory_space<hbm>>
      tpu.wait_dma2 semaphore(%run_scoped3A : memref<!tpu.dma_semaphore, #tpu.memory_space<semaphore_mem>>) src(%arg6 : memref<512x128xf32, #tpu.memory_space<vmem>>) dst(%dma_wait3A_340 : memref<512x128xf32, #tpu.memory_space<hbm>>)
      tpu.yield
    }) : () -> ()
    return
  }
}

module attributes {stable_mosaic.version = 14 : i64} {
  func.func @_topk_body(%arg0: i32, %arg1: i32, %arg2: memref<1x4096x1xf32, #tpu.memory_space<vmem>>, %arg3: memref<1x4096x2xbf16, #tpu.memory_space<vmem>>, %arg4: memref<1x8x4096xbf16, #tpu.memory_space<vmem>>, %arg5: memref<16x3xf32, #tpu.memory_space<vmem>>, %arg6: memref<16x1xf32, #tpu.memory_space<vmem>>, %arg7: memref<1x3x256xi32, #tpu.memory_space<vmem>>, %arg8: memref<1x3x16x256xf32, #tpu.memory_space<vmem>>) attributes {dimension_semantics = [#tpu.dimension_semantics<arbitrary>, #tpu.dimension_semantics<arbitrary>], iteration_bounds = array<i64: 2, 19>, scalar_prefetch = 0 : i64, scratch_operands = 0 : i64, tpu.core_type = #tpu.core_type<tc>, window_params = [{transform_indices = @transform_0, window_bounds = array<i64: 1, 4096, 1>}, {transform_indices = @transform_1, window_bounds = array<i64: 1, 4096, 2>}, {transform_indices = @transform_2, window_bounds = array<i64: 1, 8, 4096>}, {pipeline_mode = #tpu.pipeline_mode<synchronous>, transform_indices = @transform_3, window_bounds = array<i64: 16, 3>}, {pipeline_mode = #tpu.pipeline_mode<synchronous>, transform_indices = @transform_4, window_bounds = array<i64: 16, 1>}, {transform_indices = @transform_5, window_bounds = array<i64: 1, 3, 256>}, {transform_indices = @transform_6, window_bounds = array<i64: 1, 3, 16, 256>}]} {
    %iota3A = tpu.iota {dimensions = array<i32: 1>} : vector<1x256xi32>
    %mul3A = arith.constant 256 : i32
    %mul3A_0 = arith.muli %arg1, %mul3A : i32
    %add3A = vector.broadcast %mul3A_0 : i32 to vector<1x256xi32>
    %add3A_1 = arith.addi %iota3A, %add3A : vector<1x256xi32>
    %jit3A = arith.constant 80 : i32
    %eq3A = arith.constant 0 : i32
    %eq3A_2 = arith.cmpi eq, %jit3A, %eq3A : i32
    %jit3A_3 = arith.constant 1 : i32
    %select_n3A = arith.select %eq3A_2, %jit3A_3, %jit3A : i32
    %rem3A = vector.broadcast %select_n3A : i32 to vector<1x256xi32>
    %rem3A_4 = arith.remsi %add3A_1, %rem3A : vector<1x256xi32>
    %ne3A = arith.constant 0 : i32
    %ne3A_5 = vector.broadcast %ne3A : i32 to vector<1x256xi32>
    %ne3A_6 = arith.cmpi ne, %rem3A_4, %ne3A_5 : vector<1x256xi32>
    %lt3A = arith.constant 0 : i32
    %lt3A_7 = vector.broadcast %lt3A : i32 to vector<1x256xi32>
    %lt3A_8 = arith.cmpi slt, %rem3A_4, %lt3A_7 : vector<1x256xi32>
    %lt3A_9 = arith.constant 0 : i32
    %lt3A_10 = arith.cmpi slt, %select_n3A, %lt3A_9 : i32
    %ne3A_11 = vector.broadcast %lt3A_10 : i1 to vector<1x256xi1>
    %ne3A_12 = vector.broadcast %ne3A_11 : vector<1x256xi1> to vector<1x256xi1>
    %ne3A_13 = arith.xori %lt3A_8, %ne3A_12 : vector<1x256xi1>
    %and3A = arith.andi %ne3A_13, %ne3A_6 : vector<1x256xi1>
    %add3A_14 = vector.broadcast %select_n3A : i32 to vector<1x256xi32>
    %add3A_15 = arith.addi %rem3A_4, %add3A_14 : vector<1x256xi32>
    %select_n3A_16 = arith.select %and3A, %add3A_15, %rem3A_4 : vector<1x256xi1>, vector<1x256xi32>
    %convert_element_type3A = arith.sitofp %select_n3A_16 : vector<1x256xi32> to vector<1x256xf32>
    %jit3A_17 = arith.constant 80 : i32
    %div3A = vector.broadcast %jit3A_17 : i32 to vector<1x256xi32>
    %div3A_18 = arith.divsi %add3A_1, %div3A : vector<1x256xi32>
    %sign3A = arith.constant 0 : i32
    %sign3A_19 = vector.broadcast %sign3A : i32 to vector<1x256xi32>
    %sign3A_20 = arith.cmpi sgt, %add3A_1, %sign3A_19 : vector<1x256xi32>
    %sign3A_21 = arith.extui %sign3A_20 : vector<1x256xi1> to vector<1x256xi32>
    %sign3A_22 = arith.constant 0 : i32
    %sign3A_23 = vector.broadcast %sign3A_22 : i32 to vector<1x256xi32>
    %sign3A_24 = arith.cmpi slt, %add3A_1, %sign3A_23 : vector<1x256xi32>
    %sign3A_25 = arith.extui %sign3A_24 : vector<1x256xi1> to vector<1x256xi32>
    %sign3A_26 = arith.subi %sign3A_21, %sign3A_25 : vector<1x256xi32>
    %sign3A_27 = arith.constant 0 : i32
    %sign3A_28 = arith.cmpi sgt, %jit3A_17, %sign3A_27 : i32
    %sign3A_29 = arith.extui %sign3A_28 : i1 to i32
    %sign3A_30 = arith.constant 0 : i32
    %sign3A_31 = arith.cmpi slt, %jit3A_17, %sign3A_30 : i32
    %sign3A_32 = arith.extui %sign3A_31 : i1 to i32
    %sign3A_33 = arith.subi %sign3A_29, %sign3A_32 : i32
    %ne3A_34 = vector.broadcast %sign3A_33 : i32 to vector<1x256xi32>
    %ne3A_35 = arith.cmpi ne, %sign3A_26, %ne3A_34 : vector<1x256xi32>
    %rem3A_36 = vector.broadcast %jit3A_17 : i32 to vector<1x256xi32>
    %rem3A_37 = arith.remsi %add3A_1, %rem3A_36 : vector<1x256xi32>
    %ne3A_38 = arith.constant 0 : i32
    %ne3A_39 = vector.broadcast %ne3A_38 : i32 to vector<1x256xi32>
    %ne3A_40 = arith.cmpi ne, %rem3A_37, %ne3A_39 : vector<1x256xi32>
    %and3A_41 = arith.andi %ne3A_35, %ne3A_40 : vector<1x256xi1>
    %sub3A = arith.constant 1 : i32
    %sub3A_42 = vector.broadcast %sub3A : i32 to vector<1x256xi32>
    %sub3A_43 = arith.subi %div3A_18, %sub3A_42 : vector<1x256xi32>
    %select_n3A_44 = arith.select %and3A_41, %sub3A_43, %div3A_18 : vector<1x256xi1>, vector<1x256xi32>
    %convert_element_type3A_45 = arith.sitofp %select_n3A_44 : vector<1x256xi32> to vector<1x256xf32>
    %mul3A_46 = arith.mulf %convert_element_type3A, %convert_element_type3A : vector<1x256xf32>
    %mul3A_47 = arith.mulf %convert_element_type3A_45, %convert_element_type3A_45 : vector<1x256xf32>
    %add3A_48 = arith.addf %mul3A_46, %mul3A_47 : vector<1x256xf32>
    %get3A = arith.constant 0 : index
    %get3A_49 = arith.constant 0 : index
    %get3A_50 = arith.constant 0 : index
    %get3A_51 = vector.load %arg2[%get3A, %get3A_49, %get3A_50] : memref<1x4096x1xf32, #tpu.memory_space<vmem>>, vector<1x4096x1xf32>
    %get3A_52 = vector.shape_cast %get3A_51 : vector<1x4096x1xf32> to vector<4096x1xf32>
    %get3A_53 = arith.constant 0 : index
    %get3A_54 = arith.constant 0 : index
    %get3A_55 = arith.constant 0 : index
    %get3A_56 = vector.load %arg3[%get3A_53, %get3A_54, %get3A_55] : memref<1x4096x2xbf16, #tpu.memory_space<vmem>>, vector<1x4096x1xbf16>
    %get3A_57 = vector.shape_cast %get3A_56 : vector<1x4096x1xbf16> to vector<4096x1xbf16>
    %convert_element_type3A_58 = arith.extf %get3A_57 : vector<4096x1xbf16> to vector<4096x1xf32>
    %get3A_59 = arith.constant 0 : index
    %get3A_60 = arith.constant 0 : index
    %get3A_61 = arith.constant 1 : index
    %get3A_62 = vector.load %arg3[%get3A_59, %get3A_60, %get3A_61] : memref<1x4096x2xbf16, #tpu.memory_space<vmem>>, vector<1x4096x1xbf16>
    %get3A_63 = vector.shape_cast %get3A_62 : vector<1x4096x1xbf16> to vector<4096x1xbf16>
    %convert_element_type3A_64 = arith.extf %get3A_63 : vector<4096x1xbf16> to vector<4096x1xf32>
    %mul3A_65 = vector.broadcast %convert_element_type3A : vector<1x256xf32> to vector<4096x256xf32>
    %mul3A_66 = vector.broadcast %convert_element_type3A_58 : vector<4096x1xf32> to vector<4096x256xf32>
    %mul3A_67 = arith.mulf %mul3A_65, %mul3A_66 : vector<4096x256xf32>
    %mul3A_68 = vector.broadcast %convert_element_type3A_45 : vector<1x256xf32> to vector<4096x256xf32>
    %mul3A_69 = vector.broadcast %convert_element_type3A_64 : vector<4096x1xf32> to vector<4096x256xf32>
    %mul3A_70 = arith.mulf %mul3A_68, %mul3A_69 : vector<4096x256xf32>
    %add3A_71 = arith.addf %mul3A_67, %mul3A_70 : vector<4096x256xf32>
    %mul3A_72 = arith.constant 2.000000e+00 : f32
    %mul3A_73 = vector.broadcast %mul3A_72 : f32 to vector<4096x256xf32>
    %mul3A_74 = arith.mulf %mul3A_73, %add3A_71 : vector<4096x256xf32>
    %sub3A_75 = vector.broadcast %add3A_48 : vector<1x256xf32> to vector<4096x256xf32>
    %sub3A_76 = arith.subf %sub3A_75, %mul3A_74 : vector<4096x256xf32>
    %add3A_77 = vector.broadcast %get3A_52 : vector<4096x1xf32> to vector<4096x256xf32>
    %add3A_78 = arith.addf %sub3A_76, %add3A_77 : vector<4096x256xf32>
    %iota3A_79 = tpu.iota {dimensions = array<i32: 0>} : vector<4096x256xi32>
    %convert_element_type3A_80 = arith.sitofp %iota3A_79 : vector<4096x256xi32> to vector<4096x256xf32>
    %get3A_81 = arith.constant 0 : index
    %get3A_82 = arith.constant 0 : index
    %get3A_83 = arith.constant 0 : index
    %get3A_84 = vector.load %arg4[%get3A_81, %get3A_82, %get3A_83] : memref<1x8x4096xbf16, #tpu.memory_space<vmem>>, vector<1x8x4096xbf16>
    %get3A_85 = vector.shape_cast %get3A_84 : vector<1x8x4096xbf16> to vector<8x4096xbf16>
    %reduce_min3A = arith.constant dense<0x7F800000> : vector<256xf32>
    %reduce_min3A_86 = vector.multi_reduction <minimumf>, %add3A_78, %reduce_min3A [0] : vector<4096x256xf32> to vector<256xf32>
    %broadcast_in_dim3A = vector.shape_cast %reduce_min3A_86 : vector<256xf32> to vector<1x256xf32>
    %eq3A_87 = vector.broadcast %broadcast_in_dim3A : vector<1x256xf32> to vector<4096x256xf32>
    %eq3A_88 = arith.cmpf oeq, %add3A_78, %eq3A_87 : vector<4096x256xf32>
    %jit3A_89 = arith.constant 4.096000e+03 : f32
    %broadcast_in_dim3A_90 = vector.broadcast %jit3A_89 : f32 to vector<4096x256xf32>
    %select_n3A_91 = arith.select %eq3A_88, %convert_element_type3A_80, %broadcast_in_dim3A_90 : vector<4096x256xi1>, vector<4096x256xf32>
    %reduce_min3A_92 = arith.constant dense<0x7F800000> : vector<256xf32>
    %reduce_min3A_93 = vector.multi_reduction <minimumf>, %select_n3A_91, %reduce_min3A_92 [0] : vector<4096x256xf32> to vector<256xf32>
    %broadcast_in_dim3A_94 = vector.shape_cast %reduce_min3A_93 : vector<256xf32> to vector<1x256xf32>
    %eq3A_95 = vector.broadcast %broadcast_in_dim3A_94 : vector<1x256xf32> to vector<4096x256xf32>
    %eq3A_96 = arith.cmpf oeq, %convert_element_type3A_80, %eq3A_95 : vector<4096x256xf32>
    %jit3A_97 = arith.constant 3.000000e+38 : f32
    %broadcast_in_dim3A_98 = vector.broadcast %jit3A_97 : f32 to vector<4096x256xf32>
    %select_n3A_99 = arith.select %eq3A_96, %broadcast_in_dim3A_98, %add3A_78 : vector<4096x256xi1>, vector<4096x256xf32>
    %convert_element_type3A_100 = arith.fptosi %broadcast_in_dim3A_94 : vector<1x256xf32> to vector<1x256xi32>
    %mul3A_101 = arith.constant 4096 : i32
    %mul3A_102 = arith.muli %arg0, %mul3A_101 : i32
    %add3A_103 = vector.broadcast %mul3A_102 : i32 to vector<1x256xi32>
    %add3A_104 = arith.addi %convert_element_type3A_100, %add3A_103 : vector<1x256xi32>
    %swap3A = arith.constant 0 : index
    %swap3A_105 = arith.constant 0 : index
    %swap3A_106 = arith.constant 0 : index
    %swap3A_107 = vector.load %arg7[%swap3A, %swap3A_105, %swap3A_106] : memref<1x3x256xi32, #tpu.memory_space<vmem>>, vector<1x1x256xi32>
    %swap3A_108 = vector.shape_cast %swap3A_107 : vector<1x1x256xi32> to vector<1x256xi32>
    %swap3A_109 = vector.shape_cast %add3A_104 : vector<1x256xi32> to vector<1x1x256xi32>
    tpu.vector_store %arg7[%swap3A, %swap3A_105, %swap3A_106], %swap3A_109 {strides = array<i32>} : memref<1x3x256xi32, #tpu.memory_space<vmem>>, vector<1x1x256xi32>,
    %jit3A_110 = arith.constant 1.000000e+00 : f32
    %jit3A_111 = arith.constant 0.000000e+00 : f32
    %broadcast_in_dim3A_112 = vector.broadcast %jit3A_110 : f32 to vector<4096x256xf32>
    %broadcast_in_dim3A_113 = vector.broadcast %jit3A_111 : f32 to vector<4096x256xf32>
    %select_n3A_114 = arith.select %eq3A_96, %broadcast_in_dim3A_112, %broadcast_in_dim3A_113 : vector<4096x256xi1>, vector<4096x256xf32>
    %convert_element_type3A_115 = arith.truncf %select_n3A_114 : vector<4096x256xf32> to vector<4096x256xbf16>
    %dot_general3A = arith.constant dense<0.000000e+00> : vector<8x256xf32>
    %dot_general3A_116 = tpu.matmul %get3A_85, %convert_element_type3A_115, %dot_general3A {dimension_numbers = #tpu.dot_dimension_numbers<[1], [0], [0], [1], [0, 0, 1, 1], [], []>, transpose_lhs_hint = false} : vector<8x4096xbf16>, vector<4096x256xbf16>, vector<8x256xf32> -> vector<8x256xf32>
    %slice3A = vector.extract_strided_slice %dot_general3A_116 {offsets = [0, 0], sizes = [1, 256], strides = [1, 1]} : vector<8x256xf32> to vector<1x256xf32>
    %slice3A_117 = vector.extract_strided_slice %dot_general3A_116 {offsets = [1, 0], sizes = [1, 256], strides = [1, 1]} : vector<8x256xf32> to vector<1x256xf32>
    %add3A_118 = arith.addf %slice3A, %slice3A_117 : vector<1x256xf32>
    %sub3A_119 = arith.subf %add3A_118, %convert_element_type3A : vector<1x256xf32>
    %slice3A_120 = vector.extract_strided_slice %dot_general3A_116 {offsets = [2, 0], sizes = [1, 256], strides = [1, 1]} : vector<8x256xf32> to vector<1x256xf32>
    %slice3A_121 = vector.extract_strided_slice %dot_general3A_116 {offsets = [3, 0], sizes = [1, 256], strides = [1, 1]} : vector<8x256xf32> to vector<1x256xf32>
    %add3A_122 = arith.addf %slice3A_120, %slice3A_121 : vector<1x256xf32>
    %sub3A_123 = arith.subf %add3A_122, %convert_element_type3A_45 : vector<1x256xf32>
    %mul3A_124 = arith.mulf %sub3A_119, %sub3A_119 : vector<1x256xf32>
    %mul3A_125 = arith.mulf %sub3A_123, %sub3A_123 : vector<1x256xf32>
    %add3A_126 = arith.addf %mul3A_124, %mul3A_125 : vector<1x256xf32>
    %sqrt3A = math.sqrt %add3A_126 : vector<1x256xf32>
    %get3A_127 = arith.constant 0 : index
    %get3A_128 = arith.constant 0 : index
    %get3A_129 = vector.load %arg5[%get3A_127, %get3A_128] : memref<16x3xf32, #tpu.memory_space<vmem>>, vector<16x1xf32>
    %mul3A_130 = vector.broadcast %get3A_129 : vector<16x1xf32> to vector<16x256xf32>
    %mul3A_131 = vector.broadcast %sub3A_119 : vector<1x256xf32> to vector<16x256xf32>
    %mul3A_132 = arith.mulf %mul3A_130, %mul3A_131 : vector<16x256xf32>
    %get3A_133 = arith.constant 0 : index
    %get3A_134 = arith.constant 1 : index
    %get3A_135 = vector.load %arg5[%get3A_133, %get3A_134] : memref<16x3xf32, #tpu.memory_space<vmem>>, vector<16x1xf32>
    %mul3A_136 = vector.broadcast %get3A_135 : vector<16x1xf32> to vector<16x256xf32>
    %mul3A_137 = vector.broadcast %sub3A_123 : vector<1x256xf32> to vector<16x256xf32>
    %mul3A_138 = arith.mulf %mul3A_136, %mul3A_137 : vector<16x256xf32>
    %add3A_139 = arith.addf %mul3A_132, %mul3A_138 : vector<16x256xf32>
    %get3A_140 = arith.constant 0 : index
    %get3A_141 = arith.constant 2 : index
    %get3A_142 = vector.load %arg5[%get3A_140, %get3A_141] : memref<16x3xf32, #tpu.memory_space<vmem>>, vector<16x1xf32>
    %mul3A_143 = vector.broadcast %get3A_142 : vector<16x1xf32> to vector<16x256xf32>
    %mul3A_144 = vector.broadcast %sqrt3A : vector<1x256xf32> to vector<16x256xf32>
    %mul3A_145 = arith.mulf %mul3A_143, %mul3A_144 : vector<16x256xf32>
    %add3A_146 = arith.addf %add3A_139, %mul3A_145 : vector<16x256xf32>
    %get3A_147 = arith.constant 0 : index
    %get3A_148 = arith.constant 0 : index
    %get3A_149 = vector.load %arg6[%get3A_147, %get3A_148] : memref<16x1xf32, #tpu.memory_space<vmem>>, vector<16x1xf32>
    %add3A_150 = vector.broadcast %get3A_149 : vector<16x1xf32> to vector<16x256xf32>
    %add3A_151 = arith.addf %add3A_146, %add3A_150 : vector<16x256xf32>
    %ge3A = arith.constant 0.000000e+00 : f32
    %ge3A_152 = vector.broadcast %ge3A : f32 to vector<16x256xf32>
    %ge3A_153 = arith.cmpf oge, %add3A_151, %ge3A_152 : vector<16x256xf32>
    %mul3A_154 = arith.constant 1.000000e-01 : f32
    %mul3A_155 = vector.broadcast %mul3A_154 : f32 to vector<16x256xf32>
    %mul3A_156 = arith.mulf %mul3A_155, %add3A_151 : vector<16x256xf32>
    %select_n3A_157 = arith.select %ge3A_153, %add3A_151, %mul3A_156 : vector<16x256xi1>, vector<16x256xf32>
    %swap3A_158 = arith.constant 0 : index
    %swap3A_159 = arith.constant 0 : index
    %swap3A_160 = arith.constant 0 : index
    %swap3A_161 = arith.constant 0 : index
    %swap3A_162 = vector.load %arg8[%swap3A_158, %swap3A_159, %swap3A_160, %swap3A_161] : memref<1x3x16x256xf32, #tpu.memory_space<vmem>>, vector<1x1x16x256xf32>
    %swap3A_163 = vector.shape_cast %swap3A_162 : vector<1x1x16x256xf32> to vector<16x256xf32>
    %swap3A_164 = vector.shape_cast %select_n3A_157 : vector<16x256xf32> to vector<1x1x16x256xf32>
    tpu.vector_store %arg8[%swap3A_158, %swap3A_159, %swap3A_160, %swap3A_161], %swap3A_164 {strides = array<i32>} : memref<1x3x16x256xf32, #tpu.memory_space<vmem>>, vector<1x1x16x256xf32>,
    %reduce_min3A_165 = arith.constant dense<0x7F800000> : vector<256xf32>
    %reduce_min3A_166 = vector.multi_reduction <minimumf>, %select_n3A_99, %reduce_min3A_165 [0] : vector<4096x256xf32> to vector<256xf32>
    %broadcast_in_dim3A_167 = vector.shape_cast %reduce_min3A_166 : vector<256xf32> to vector<1x256xf32>
    %eq3A_168 = vector.broadcast %broadcast_in_dim3A_167 : vector<1x256xf32> to vector<4096x256xf32>
    %eq3A_169 = arith.cmpf oeq, %select_n3A_99, %eq3A_168 : vector<4096x256xf32>
    %jit3A_170 = arith.constant 4.096000e+03 : f32
    %broadcast_in_dim3A_171 = vector.broadcast %jit3A_170 : f32 to vector<4096x256xf32>
    %select_n3A_172 = arith.select %eq3A_169, %convert_element_type3A_80, %broadcast_in_dim3A_171 : vector<4096x256xi1>, vector<4096x256xf32>
    %reduce_min3A_173 = arith.constant dense<0x7F800000> : vector<256xf32>
    %reduce_min3A_174 = vector.multi_reduction <minimumf>, %select_n3A_172, %reduce_min3A_173 [0] : vector<4096x256xf32> to vector<256xf32>
    %broadcast_in_dim3A_175 = vector.shape_cast %reduce_min3A_174 : vector<256xf32> to vector<1x256xf32>
    %eq3A_176 = vector.broadcast %broadcast_in_dim3A_175 : vector<1x256xf32> to vector<4096x256xf32>
    %eq3A_177 = arith.cmpf oeq, %convert_element_type3A_80, %eq3A_176 : vector<4096x256xf32>
    %jit3A_178 = arith.constant 3.000000e+38 : f32
    %broadcast_in_dim3A_179 = vector.broadcast %jit3A_178 : f32 to vector<4096x256xf32>
    %select_n3A_180 = arith.select %eq3A_177, %broadcast_in_dim3A_179, %select_n3A_99 : vector<4096x256xi1>, vector<4096x256xf32>
    %convert_element_type3A_181 = arith.fptosi %broadcast_in_dim3A_175 : vector<1x256xf32> to vector<1x256xi32>
    %mul3A_182 = arith.constant 4096 : i32
    %mul3A_183 = arith.muli %arg0, %mul3A_182 : i32
    %add3A_184 = vector.broadcast %mul3A_183 : i32 to vector<1x256xi32>
    %add3A_185 = arith.addi %convert_element_type3A_181, %add3A_184 : vector<1x256xi32>
    %swap3A_186 = arith.constant 0 : index
    %swap3A_187 = arith.constant 1 : index
    %swap3A_188 = arith.constant 0 : index
    %swap3A_189 = vector.load %arg7[%swap3A_186, %swap3A_187, %swap3A_188] : memref<1x3x256xi32, #tpu.memory_space<vmem>>, vector<1x1x256xi32>
    %swap3A_190 = vector.shape_cast %swap3A_189 : vector<1x1x256xi32> to vector<1x256xi32>
    %swap3A_191 = vector.shape_cast %add3A_185 : vector<1x256xi32> to vector<1x1x256xi32>
    tpu.vector_store %arg7[%swap3A_186, %swap3A_187, %swap3A_188], %swap3A_191 {strides = array<i32>} : memref<1x3x256xi32, #tpu.memory_space<vmem>>, vector<1x1x256xi32>,
    %jit3A_192 = arith.constant 1.000000e+00 : f32
    %jit3A_193 = arith.constant 0.000000e+00 : f32
    %broadcast_in_dim3A_194 = vector.broadcast %jit3A_192 : f32 to vector<4096x256xf32>
    %broadcast_in_dim3A_195 = vector.broadcast %jit3A_193 : f32 to vector<4096x256xf32>
    %select_n3A_196 = arith.select %eq3A_177, %broadcast_in_dim3A_194, %broadcast_in_dim3A_195 : vector<4096x256xi1>, vector<4096x256xf32>
    %convert_element_type3A_197 = arith.truncf %select_n3A_196 : vector<4096x256xf32> to vector<4096x256xbf16>
    %dot_general3A_198 = arith.constant dense<0.000000e+00> : vector<8x256xf32>
    %dot_general3A_199 = tpu.matmul %get3A_85, %convert_element_type3A_197, %dot_general3A_198 {dimension_numbers = #tpu.dot_dimension_numbers<[1], [0], [0], [1], [0, 0, 1, 1], [], []>, transpose_lhs_hint = false} : vector<8x4096xbf16>, vector<4096x256xbf16>, vector<8x256xf32> -> vector<8x256xf32>
    %slice3A_200 = vector.extract_strided_slice %dot_general3A_199 {offsets = [0, 0], sizes = [1, 256], strides = [1, 1]} : vector<8x256xf32> to vector<1x256xf32>
    %slice3A_201 = vector.extract_strided_slice %dot_general3A_199 {offsets = [1, 0], sizes = [1, 256], strides = [1, 1]} : vector<8x256xf32> to vector<1x256xf32>
    %add3A_202 = arith.addf %slice3A_200, %slice3A_201 : vector<1x256xf32>
    %sub3A_203 = arith.subf %add3A_202, %convert_element_type3A : vector<1x256xf32>
    %slice3A_204 = vector.extract_strided_slice %dot_general3A_199 {offsets = [2, 0], sizes = [1, 256], strides = [1, 1]} : vector<8x256xf32> to vector<1x256xf32>
    %slice3A_205 = vector.extract_strided_slice %dot_general3A_199 {offsets = [3, 0], sizes = [1, 256], strides = [1, 1]} : vector<8x256xf32> to vector<1x256xf32>
    %add3A_206 = arith.addf %slice3A_204, %slice3A_205 : vector<1x256xf32>
    %sub3A_207 = arith.subf %add3A_206, %convert_element_type3A_45 : vector<1x256xf32>
    %mul3A_208 = arith.mulf %sub3A_203, %sub3A_203 : vector<1x256xf32>
    %mul3A_209 = arith.mulf %sub3A_207, %sub3A_207 : vector<1x256xf32>
    %add3A_210 = arith.addf %mul3A_208, %mul3A_209 : vector<1x256xf32>
    %sqrt3A_211 = math.sqrt %add3A_210 : vector<1x256xf32>
    %get3A_212 = arith.constant 0 : index
    %get3A_213 = arith.constant 0 : index
    %get3A_214 = vector.load %arg5[%get3A_212, %get3A_213] : memref<16x3xf32, #tpu.memory_space<vmem>>, vector<16x1xf32>
    %mul3A_215 = vector.broadcast %get3A_214 : vector<16x1xf32> to vector<16x256xf32>
    %mul3A_216 = vector.broadcast %sub3A_203 : vector<1x256xf32> to vector<16x256xf32>
    %mul3A_217 = arith.mulf %mul3A_215, %mul3A_216 : vector<16x256xf32>
    %get3A_218 = arith.constant 0 : index
    %get3A_219 = arith.constant 1 : index
    %get3A_220 = vector.load %arg5[%get3A_218, %get3A_219] : memref<16x3xf32, #tpu.memory_space<vmem>>, vector<16x1xf32>
    %mul3A_221 = vector.broadcast %get3A_220 : vector<16x1xf32> to vector<16x256xf32>
    %mul3A_222 = vector.broadcast %sub3A_207 : vector<1x256xf32> to vector<16x256xf32>
    %mul3A_223 = arith.mulf %mul3A_221, %mul3A_222 : vector<16x256xf32>
    %add3A_224 = arith.addf %mul3A_217, %mul3A_223 : vector<16x256xf32>
    %get3A_225 = arith.constant 0 : index
    %get3A_226 = arith.constant 2 : index
    %get3A_227 = vector.load %arg5[%get3A_225, %get3A_226] : memref<16x3xf32, #tpu.memory_space<vmem>>, vector<16x1xf32>
    %mul3A_228 = vector.broadcast %get3A_227 : vector<16x1xf32> to vector<16x256xf32>
    %mul3A_229 = vector.broadcast %sqrt3A_211 : vector<1x256xf32> to vector<16x256xf32>
    %mul3A_230 = arith.mulf %mul3A_228, %mul3A_229 : vector<16x256xf32>
    %add3A_231 = arith.addf %add3A_224, %mul3A_230 : vector<16x256xf32>
    %get3A_232 = arith.constant 0 : index
    %get3A_233 = arith.constant 0 : index
    %get3A_234 = vector.load %arg6[%get3A_232, %get3A_233] : memref<16x1xf32, #tpu.memory_space<vmem>>, vector<16x1xf32>
    %add3A_235 = vector.broadcast %get3A_234 : vector<16x1xf32> to vector<16x256xf32>
    %add3A_236 = arith.addf %add3A_231, %add3A_235 : vector<16x256xf32>
    %ge3A_237 = arith.constant 0.000000e+00 : f32
    %ge3A_238 = vector.broadcast %ge3A_237 : f32 to vector<16x256xf32>
    %ge3A_239 = arith.cmpf oge, %add3A_236, %ge3A_238 : vector<16x256xf32>
    %mul3A_240 = arith.constant 1.000000e-01 : f32
    %mul3A_241 = vector.broadcast %mul3A_240 : f32 to vector<16x256xf32>
    %mul3A_242 = arith.mulf %mul3A_241, %add3A_236 : vector<16x256xf32>
    %select_n3A_243 = arith.select %ge3A_239, %add3A_236, %mul3A_242 : vector<16x256xi1>, vector<16x256xf32>
    %swap3A_244 = arith.constant 0 : index
    %swap3A_245 = arith.constant 1 : index
    %swap3A_246 = arith.constant 0 : index
    %swap3A_247 = arith.constant 0 : index
    %swap3A_248 = vector.load %arg8[%swap3A_244, %swap3A_245, %swap3A_246, %swap3A_247] : memref<1x3x16x256xf32, #tpu.memory_space<vmem>>, vector<1x1x16x256xf32>
    %swap3A_249 = vector.shape_cast %swap3A_248 : vector<1x1x16x256xf32> to vector<16x256xf32>
    %swap3A_250 = vector.shape_cast %select_n3A_243 : vector<16x256xf32> to vector<1x1x16x256xf32>
    tpu.vector_store %arg8[%swap3A_244, %swap3A_245, %swap3A_246, %swap3A_247], %swap3A_250 {strides = array<i32>} : memref<1x3x16x256xf32, #tpu.memory_space<vmem>>, vector<1x1x16x256xf32>,
    %reduce_min3A_251 = arith.constant dense<0x7F800000> : vector<256xf32>
    %reduce_min3A_252 = vector.multi_reduction <minimumf>, %select_n3A_180, %reduce_min3A_251 [0] : vector<4096x256xf32> to vector<256xf32>
    %broadcast_in_dim3A_253 = vector.shape_cast %reduce_min3A_252 : vector<256xf32> to vector<1x256xf32>
    %eq3A_254 = vector.broadcast %broadcast_in_dim3A_253 : vector<1x256xf32> to vector<4096x256xf32>
    %eq3A_255 = arith.cmpf oeq, %select_n3A_180, %eq3A_254 : vector<4096x256xf32>
    %jit3A_256 = arith.constant 4.096000e+03 : f32
    %broadcast_in_dim3A_257 = vector.broadcast %jit3A_256 : f32 to vector<4096x256xf32>
    %select_n3A_258 = arith.select %eq3A_255, %convert_element_type3A_80, %broadcast_in_dim3A_257 : vector<4096x256xi1>, vector<4096x256xf32>
    %reduce_min3A_259 = arith.constant dense<0x7F800000> : vector<256xf32>
    %reduce_min3A_260 = vector.multi_reduction <minimumf>, %select_n3A_258, %reduce_min3A_259 [0] : vector<4096x256xf32> to vector<256xf32>
    %broadcast_in_dim3A_261 = vector.shape_cast %reduce_min3A_260 : vector<256xf32> to vector<1x256xf32>
    %eq3A_262 = vector.broadcast %broadcast_in_dim3A_261 : vector<1x256xf32> to vector<4096x256xf32>
    %eq3A_263 = arith.cmpf oeq, %convert_element_type3A_80, %eq3A_262 : vector<4096x256xf32>
    %convert_element_type3A_264 = arith.fptosi %broadcast_in_dim3A_261 : vector<1x256xf32> to vector<1x256xi32>
    %mul3A_265 = arith.constant 4096 : i32
    %mul3A_266 = arith.muli %arg0, %mul3A_265 : i32
    %add3A_267 = vector.broadcast %mul3A_266 : i32 to vector<1x256xi32>
    %add3A_268 = arith.addi %convert_element_type3A_264, %add3A_267 : vector<1x256xi32>
    %swap3A_269 = arith.constant 0 : index
    %swap3A_270 = arith.constant 2 : index
    %swap3A_271 = arith.constant 0 : index
    %swap3A_272 = vector.load %arg7[%swap3A_269, %swap3A_270, %swap3A_271] : memref<1x3x256xi32, #tpu.memory_space<vmem>>, vector<1x1x256xi32>
    %swap3A_273 = vector.shape_cast %swap3A_272 : vector<1x1x256xi32> to vector<1x256xi32>
    %swap3A_274 = vector.shape_cast %add3A_268 : vector<1x256xi32> to vector<1x1x256xi32>
    tpu.vector_store %arg7[%swap3A_269, %swap3A_270, %swap3A_271], %swap3A_274 {strides = array<i32>} : memref<1x3x256xi32, #tpu.memory_space<vmem>>, vector<1x1x256xi32>,
    %jit3A_275 = arith.constant 1.000000e+00 : f32
    %jit3A_276 = arith.constant 0.000000e+00 : f32
    %broadcast_in_dim3A_277 = vector.broadcast %jit3A_275 : f32 to vector<4096x256xf32>
    %broadcast_in_dim3A_278 = vector.broadcast %jit3A_276 : f32 to vector<4096x256xf32>
    %select_n3A_279 = arith.select %eq3A_263, %broadcast_in_dim3A_277, %broadcast_in_dim3A_278 : vector<4096x256xi1>, vector<4096x256xf32>
    %convert_element_type3A_280 = arith.truncf %select_n3A_279 : vector<4096x256xf32> to vector<4096x256xbf16>
    %dot_general3A_281 = arith.constant dense<0.000000e+00> : vector<8x256xf32>
    %dot_general3A_282 = tpu.matmul %get3A_85, %convert_element_type3A_280, %dot_general3A_281 {dimension_numbers = #tpu.dot_dimension_numbers<[1], [0], [0], [1], [0, 0, 1, 1], [], []>, transpose_lhs_hint = false} : vector<8x4096xbf16>, vector<4096x256xbf16>, vector<8x256xf32> -> vector<8x256xf32>
    %slice3A_283 = vector.extract_strided_slice %dot_general3A_282 {offsets = [0, 0], sizes = [1, 256], strides = [1, 1]} : vector<8x256xf32> to vector<1x256xf32>
    %slice3A_284 = vector.extract_strided_slice %dot_general3A_282 {offsets = [1, 0], sizes = [1, 256], strides = [1, 1]} : vector<8x256xf32> to vector<1x256xf32>
    %add3A_285 = arith.addf %slice3A_283, %slice3A_284 : vector<1x256xf32>
    %sub3A_286 = arith.subf %add3A_285, %convert_element_type3A : vector<1x256xf32>
    %slice3A_287 = vector.extract_strided_slice %dot_general3A_282 {offsets = [2, 0], sizes = [1, 256], strides = [1, 1]} : vector<8x256xf32> to vector<1x256xf32>
    %slice3A_288 = vector.extract_strided_slice %dot_general3A_282 {offsets = [3, 0], sizes = [1, 256], strides = [1, 1]} : vector<8x256xf32> to vector<1x256xf32>
    %add3A_289 = arith.addf %slice3A_287, %slice3A_288 : vector<1x256xf32>
    %sub3A_290 = arith.subf %add3A_289, %convert_element_type3A_45 : vector<1x256xf32>
    %mul3A_291 = arith.mulf %sub3A_286, %sub3A_286 : vector<1x256xf32>
    %mul3A_292 = arith.mulf %sub3A_290, %sub3A_290 : vector<1x256xf32>
    %add3A_293 = arith.addf %mul3A_291, %mul3A_292 : vector<1x256xf32>
    %sqrt3A_294 = math.sqrt %add3A_293 : vector<1x256xf32>
    %get3A_295 = arith.constant 0 : index
    %get3A_296 = arith.constant 0 : index
    %get3A_297 = vector.load %arg5[%get3A_295, %get3A_296] : memref<16x3xf32, #tpu.memory_space<vmem>>, vector<16x1xf32>
    %mul3A_298 = vector.broadcast %get3A_297 : vector<16x1xf32> to vector<16x256xf32>
    %mul3A_299 = vector.broadcast %sub3A_286 : vector<1x256xf32> to vector<16x256xf32>
    %mul3A_300 = arith.mulf %mul3A_298, %mul3A_299 : vector<16x256xf32>
    %get3A_301 = arith.constant 0 : index
    %get3A_302 = arith.constant 1 : index
    %get3A_303 = vector.load %arg5[%get3A_301, %get3A_302] : memref<16x3xf32, #tpu.memory_space<vmem>>, vector<16x1xf32>
    %mul3A_304 = vector.broadcast %get3A_303 : vector<16x1xf32> to vector<16x256xf32>
    %mul3A_305 = vector.broadcast %sub3A_290 : vector<1x256xf32> to vector<16x256xf32>
    %mul3A_306 = arith.mulf %mul3A_304, %mul3A_305 : vector<16x256xf32>
    %add3A_307 = arith.addf %mul3A_300, %mul3A_306 : vector<16x256xf32>
    %get3A_308 = arith.constant 0 : index
    %get3A_309 = arith.constant 2 : index
    %get3A_310 = vector.load %arg5[%get3A_308, %get3A_309] : memref<16x3xf32, #tpu.memory_space<vmem>>, vector<16x1xf32>
    %mul3A_311 = vector.broadcast %get3A_310 : vector<16x1xf32> to vector<16x256xf32>
    %mul3A_312 = vector.broadcast %sqrt3A_294 : vector<1x256xf32> to vector<16x256xf32>
    %mul3A_313 = arith.mulf %mul3A_311, %mul3A_312 : vector<16x256xf32>
    %add3A_314 = arith.addf %add3A_307, %mul3A_313 : vector<16x256xf32>
    %get3A_315 = arith.constant 0 : index
    %get3A_316 = arith.constant 0 : index
    %get3A_317 = vector.load %arg6[%get3A_315, %get3A_316] : memref<16x1xf32, #tpu.memory_space<vmem>>, vector<16x1xf32>
    %add3A_318 = vector.broadcast %get3A_317 : vector<16x1xf32> to vector<16x256xf32>
    %add3A_319 = arith.addf %add3A_314, %add3A_318 : vector<16x256xf32>
    %ge3A_320 = arith.constant 0.000000e+00 : f32
    %ge3A_321 = vector.broadcast %ge3A_320 : f32 to vector<16x256xf32>
    %ge3A_322 = arith.cmpf oge, %add3A_319, %ge3A_321 : vector<16x256xf32>
    %mul3A_323 = arith.constant 1.000000e-01 : f32
    %mul3A_324 = vector.broadcast %mul3A_323 : f32 to vector<16x256xf32>
    %mul3A_325 = arith.mulf %mul3A_324, %add3A_319 : vector<16x256xf32>
    %select_n3A_326 = arith.select %ge3A_322, %add3A_319, %mul3A_325 : vector<16x256xi1>, vector<16x256xf32>
    %swap3A_327 = arith.constant 0 : index
    %swap3A_328 = arith.constant 2 : index
    %swap3A_329 = arith.constant 0 : index
    %swap3A_330 = arith.constant 0 : index
    %swap3A_331 = vector.load %arg8[%swap3A_327, %swap3A_328, %swap3A_329, %swap3A_330] : memref<1x3x16x256xf32, #tpu.memory_space<vmem>>, vector<1x1x16x256xf32>
    %swap3A_332 = vector.shape_cast %swap3A_331 : vector<1x1x16x256xf32> to vector<16x256xf32>
    %swap3A_333 = vector.shape_cast %select_n3A_326 : vector<16x256xf32> to vector<1x1x16x256xf32>
    tpu.vector_store %arg8[%swap3A_327, %swap3A_328, %swap3A_329, %swap3A_330], %swap3A_333 {strides = array<i32>} : memref<1x3x16x256xf32, #tpu.memory_space<vmem>>, vector<1x1x16x256xf32>,
    return
  }
  func.func @transform_0(%arg0: i32, %arg1: i32) -> (i32, i32, i32) {
    %c0_i32 = arith.constant 0 : i32
    %c0_i32_0 = arith.constant 0 : i32
    %c0_i32_1 = arith.constant 0 : i32
    return %arg0, %c0_i32, %c0_i32_0 : i32, i32, i32
  }
  func.func @transform_1(%arg0: i32, %arg1: i32) -> (i32, i32, i32) {
    %c0_i32 = arith.constant 0 : i32
    %c0_i32_0 = arith.constant 0 : i32
    %c0_i32_1 = arith.constant 0 : i32
    return %arg0, %c0_i32, %c0_i32_0 : i32, i32, i32
  }
  func.func @transform_2(%arg0: i32, %arg1: i32) -> (i32, i32, i32) {
    %c0_i32 = arith.constant 0 : i32
    %c0_i32_0 = arith.constant 0 : i32
    %c0_i32_1 = arith.constant 0 : i32
    return %arg0, %c0_i32, %c0_i32_0 : i32, i32, i32
  }
  func.func @transform_3(%arg0: i32, %arg1: i32) -> (i32, i32) {
    %c0_i32 = arith.constant 0 : i32
    %c0_i32_0 = arith.constant 0 : i32
    %c0_i32_1 = arith.constant 0 : i32
    return %c0_i32, %c0_i32_0 : i32, i32
  }
  func.func @transform_4(%arg0: i32, %arg1: i32) -> (i32, i32) {
    %c0_i32 = arith.constant 0 : i32
    %c0_i32_0 = arith.constant 0 : i32
    %c0_i32_1 = arith.constant 0 : i32
    return %c0_i32, %c0_i32_0 : i32, i32
  }
  func.func @transform_5(%arg0: i32, %arg1: i32) -> (i32, i32, i32) {
    %c0_i32 = arith.constant 0 : i32
    %c0_i32_0 = arith.constant 0 : i32
    return %arg0, %c0_i32, %arg1 : i32, i32, i32
  }
  func.func @transform_6(%arg0: i32, %arg1: i32) -> (i32, i32, i32, i32) {
    %c0_i32 = arith.constant 0 : i32
    %c0_i32_0 = arith.constant 0 : i32
    %c0_i32_1 = arith.constant 0 : i32
    return %arg0, %c0_i32, %c0_i32_0, %arg1 : i32, i32, i32, i32
  }
}

module attributes {stable_mosaic.version = 14 : i64} {
  func.func @_combine_body(%arg0: i32, %arg1: i32, %arg2: memref<1x3x16x256xf32, #tpu.memory_space<vmem>>, %arg3: memref<1x3x256x128xf32, #tpu.memory_space<vmem>>, %arg4: memref<128x16xf32, #tpu.memory_space<vmem>>, %arg5: memref<1x128xf32, #tpu.memory_space<vmem>>, %arg6: memref<64x128xf32, #tpu.memory_space<vmem>>, %arg7: memref<64x1xf32, #tpu.memory_space<vmem>>, %arg8: memref<1x64x256xf32, #tpu.memory_space<vmem>>) attributes {dimension_semantics = [#tpu.dimension_semantics<arbitrary>, #tpu.dimension_semantics<arbitrary>], iteration_bounds = array<i64: 2, 19>, scalar_prefetch = 0 : i64, scratch_operands = 0 : i64, tpu.core_type = #tpu.core_type<tc>, window_params = [{transform_indices = @transform_0, window_bounds = array<i64: 1, 3, 16, 256>}, {transform_indices = @transform_1, window_bounds = array<i64: 1, 3, 256, 128>}, {pipeline_mode = #tpu.pipeline_mode<synchronous>, transform_indices = @transform_2, window_bounds = array<i64: 128, 16>}, {pipeline_mode = #tpu.pipeline_mode<synchronous>, transform_indices = @transform_3, window_bounds = array<i64: 1, 128>}, {pipeline_mode = #tpu.pipeline_mode<synchronous>, transform_indices = @transform_4, window_bounds = array<i64: 64, 128>}, {pipeline_mode = #tpu.pipeline_mode<synchronous>, transform_indices = @transform_5, window_bounds = array<i64: 64, 1>}, {transform_indices = @transform_6, window_bounds = array<i64: 1, 64, 256>}]} {
    %broadcast_in_dim3A = arith.constant 0.000000e+00 : f32
    %broadcast_in_dim3A_0 = vector.broadcast %broadcast_in_dim3A : f32 to vector<256x128xf32>
    %get3A = arith.constant 0 : index
    %get3A_1 = arith.constant 0 : index
    %get3A_2 = arith.constant 0 : index
    %get3A_3 = arith.constant 0 : index
    %get3A_4 = vector.load %arg2[%get3A, %get3A_1, %get3A_2, %get3A_3] : memref<1x3x16x256xf32, #tpu.memory_space<vmem>>, vector<1x1x16x256xf32>
    %get3A_5 = vector.shape_cast %get3A_4 : vector<1x1x16x256xf32> to vector<16x256xf32>
    %convert_element_type3A = arith.truncf %get3A_5 : vector<16x256xf32> to vector<16x256xbf16>
    %get3A_6 = arith.constant 0 : index
    %get3A_7 = arith.constant 0 : index
    %get3A_8 = vector.load %arg4[%get3A_6, %get3A_7] : memref<128x16xf32, #tpu.memory_space<vmem>>, vector<128x16xf32>
    %convert_element_type3A_9 = arith.truncf %get3A_8 : vector<128x16xf32> to vector<128x16xbf16>
    %dot_general3A = arith.constant dense<0.000000e+00> : vector<256x128xf32>
    %dot_general3A_10 = tpu.matmul %convert_element_type3A, %convert_element_type3A_9, %dot_general3A {dimension_numbers = #tpu.dot_dimension_numbers<[0], [1], [1], [0], [0, 1, 1, 0], [], []>, transpose_lhs_hint = false} : vector<16x256xbf16>, vector<128x16xbf16>, vector<256x128xf32> -> vector<256x128xf32>
    %get3A_11 = arith.constant 0 : index
    %get3A_12 = arith.constant 0 : index
    %get3A_13 = vector.load %arg5[%get3A_11, %get3A_12] : memref<1x128xf32, #tpu.memory_space<vmem>>, vector<1x128xf32>
    %add3A = vector.broadcast %get3A_13 : vector<1x128xf32> to vector<256x128xf32>
    %add3A_14 = arith.addf %dot_general3A_10, %add3A : vector<256x128xf32>
    %logistic3A = arith.negf %add3A_14 : vector<256x128xf32>
    %logistic3A_15 = math.exp %logistic3A : vector<256x128xf32>
    %logistic3A_16 = arith.constant 1.000000e+00 : f32
    %logistic3A_17 = vector.broadcast %logistic3A_16 : f32 to vector<256x128xf32>
    %logistic3A_18 = arith.addf %logistic3A_17, %logistic3A_15 : vector<256x128xf32>
    %logistic3A_19 = arith.divf %logistic3A_17, %logistic3A_18 : vector<256x128xf32>
    %get3A_20 = arith.constant 0 : index
    %get3A_21 = arith.constant 0 : index
    %get3A_22 = arith.constant 0 : index
    %get3A_23 = arith.constant 0 : index
    %get3A_24 = vector.load %arg3[%get3A_20, %get3A_21, %get3A_22, %get3A_23] : memref<1x3x256x128xf32, #tpu.memory_space<vmem>>, vector<1x1x256x128xf32>
    %get3A_25 = vector.shape_cast %get3A_24 : vector<1x1x256x128xf32> to vector<256x128xf32>
    %mul3A = arith.mulf %logistic3A_19, %get3A_25 : vector<256x128xf32>
    %add3A_26 = arith.addf %broadcast_in_dim3A_0, %mul3A : vector<256x128xf32>
    %get3A_27 = arith.constant 0 : index
    %get3A_28 = arith.constant 1 : index
    %get3A_29 = arith.constant 0 : index
    %get3A_30 = arith.constant 0 : index
    %get3A_31 = vector.load %arg2[%get3A_27, %get3A_28, %get3A_29, %get3A_30] : memref<1x3x16x256xf32, #tpu.memory_space<vmem>>, vector<1x1x16x256xf32>
    %get3A_32 = vector.shape_cast %get3A_31 : vector<1x1x16x256xf32> to vector<16x256xf32>
    %convert_element_type3A_33 = arith.truncf %get3A_32 : vector<16x256xf32> to vector<16x256xbf16>
    %get3A_34 = arith.constant 0 : index
    %get3A_35 = arith.constant 0 : index
    %get3A_36 = vector.load %arg4[%get3A_34, %get3A_35] : memref<128x16xf32, #tpu.memory_space<vmem>>, vector<128x16xf32>
    %convert_element_type3A_37 = arith.truncf %get3A_36 : vector<128x16xf32> to vector<128x16xbf16>
    %dot_general3A_38 = arith.constant dense<0.000000e+00> : vector<256x128xf32>
    %dot_general3A_39 = tpu.matmul %convert_element_type3A_33, %convert_element_type3A_37, %dot_general3A_38 {dimension_numbers = #tpu.dot_dimension_numbers<[0], [1], [1], [0], [0, 1, 1, 0], [], []>, transpose_lhs_hint = false} : vector<16x256xbf16>, vector<128x16xbf16>, vector<256x128xf32> -> vector<256x128xf32>
    %get3A_40 = arith.constant 0 : index
    %get3A_41 = arith.constant 0 : index
    %get3A_42 = vector.load %arg5[%get3A_40, %get3A_41] : memref<1x128xf32, #tpu.memory_space<vmem>>, vector<1x128xf32>
    %add3A_43 = vector.broadcast %get3A_42 : vector<1x128xf32> to vector<256x128xf32>
    %add3A_44 = arith.addf %dot_general3A_39, %add3A_43 : vector<256x128xf32>
    %logistic3A_45 = arith.negf %add3A_44 : vector<256x128xf32>
    %logistic3A_46 = math.exp %logistic3A_45 : vector<256x128xf32>
    %logistic3A_47 = arith.constant 1.000000e+00 : f32
    %logistic3A_48 = vector.broadcast %logistic3A_47 : f32 to vector<256x128xf32>
    %logistic3A_49 = arith.addf %logistic3A_48, %logistic3A_46 : vector<256x128xf32>
    %logistic3A_50 = arith.divf %logistic3A_48, %logistic3A_49 : vector<256x128xf32>
    %get3A_51 = arith.constant 0 : index
    %get3A_52 = arith.constant 1 : index
    %get3A_53 = arith.constant 0 : index
    %get3A_54 = arith.constant 0 : index
    %get3A_55 = vector.load %arg3[%get3A_51, %get3A_52, %get3A_53, %get3A_54] : memref<1x3x256x128xf32, #tpu.memory_space<vmem>>, vector<1x1x256x128xf32>
    %get3A_56 = vector.shape_cast %get3A_55 : vector<1x1x256x128xf32> to vector<256x128xf32>
    %mul3A_57 = arith.mulf %logistic3A_50, %get3A_56 : vector<256x128xf32>
    %add3A_58 = arith.addf %add3A_26, %mul3A_57 : vector<256x128xf32>
    %get3A_59 = arith.constant 0 : index
    %get3A_60 = arith.constant 2 : index
    %get3A_61 = arith.constant 0 : index
    %get3A_62 = arith.constant 0 : index
    %get3A_63 = vector.load %arg2[%get3A_59, %get3A_60, %get3A_61, %get3A_62] : memref<1x3x16x256xf32, #tpu.memory_space<vmem>>, vector<1x1x16x256xf32>
    %get3A_64 = vector.shape_cast %get3A_63 : vector<1x1x16x256xf32> to vector<16x256xf32>
    %convert_element_type3A_65 = arith.truncf %get3A_64 : vector<16x256xf32> to vector<16x256xbf16>
    %get3A_66 = arith.constant 0 : index
    %get3A_67 = arith.constant 0 : index
    %get3A_68 = vector.load %arg4[%get3A_66, %get3A_67] : memref<128x16xf32, #tpu.memory_space<vmem>>, vector<128x16xf32>
    %convert_element_type3A_69 = arith.truncf %get3A_68 : vector<128x16xf32> to vector<128x16xbf16>
    %dot_general3A_70 = arith.constant dense<0.000000e+00> : vector<256x128xf32>
    %dot_general3A_71 = tpu.matmul %convert_element_type3A_65, %convert_element_type3A_69, %dot_general3A_70 {dimension_numbers = #tpu.dot_dimension_numbers<[0], [1], [1], [0], [0, 1, 1, 0], [], []>, transpose_lhs_hint = false} : vector<16x256xbf16>, vector<128x16xbf16>, vector<256x128xf32> -> vector<256x128xf32>
    %get3A_72 = arith.constant 0 : index
    %get3A_73 = arith.constant 0 : index
    %get3A_74 = vector.load %arg5[%get3A_72, %get3A_73] : memref<1x128xf32, #tpu.memory_space<vmem>>, vector<1x128xf32>
    %add3A_75 = vector.broadcast %get3A_74 : vector<1x128xf32> to vector<256x128xf32>
    %add3A_76 = arith.addf %dot_general3A_71, %add3A_75 : vector<256x128xf32>
    %logistic3A_77 = arith.negf %add3A_76 : vector<256x128xf32>
    %logistic3A_78 = math.exp %logistic3A_77 : vector<256x128xf32>
    %logistic3A_79 = arith.constant 1.000000e+00 : f32
    %logistic3A_80 = vector.broadcast %logistic3A_79 : f32 to vector<256x128xf32>
    %logistic3A_81 = arith.addf %logistic3A_80, %logistic3A_78 : vector<256x128xf32>
    %logistic3A_82 = arith.divf %logistic3A_80, %logistic3A_81 : vector<256x128xf32>
    %get3A_83 = arith.constant 0 : index
    %get3A_84 = arith.constant 2 : index
    %get3A_85 = arith.constant 0 : index
    %get3A_86 = arith.constant 0 : index
    %get3A_87 = vector.load %arg3[%get3A_83, %get3A_84, %get3A_85, %get3A_86] : memref<1x3x256x128xf32, #tpu.memory_space<vmem>>, vector<1x1x256x128xf32>
    %get3A_88 = vector.shape_cast %get3A_87 : vector<1x1x256x128xf32> to vector<256x128xf32>
    %mul3A_89 = arith.mulf %logistic3A_82, %get3A_88 : vector<256x128xf32>
    %add3A_90 = arith.addf %add3A_58, %mul3A_89 : vector<256x128xf32>
    %get3A_91 = arith.constant 0 : index
    %get3A_92 = arith.constant 0 : index
    %get3A_93 = vector.load %arg6[%get3A_91, %get3A_92] : memref<64x128xf32, #tpu.memory_space<vmem>>, vector<64x128xf32>
    %convert_element_type3A_94 = arith.truncf %get3A_93 : vector<64x128xf32> to vector<64x128xbf16>
    %convert_element_type3A_95 = arith.truncf %add3A_90 : vector<256x128xf32> to vector<256x128xbf16>
    %dot_general3A_96 = arith.constant dense<0.000000e+00> : vector<64x256xf32>
    %dot_general3A_97 = tpu.matmul %convert_element_type3A_94, %convert_element_type3A_95, %dot_general3A_96 {dimension_numbers = #tpu.dot_dimension_numbers<[1], [1], [0], [0], [0, 0, 1, 0], [], []>, transpose_lhs_hint = false} : vector<64x128xbf16>, vector<256x128xbf16>, vector<64x256xf32> -> vector<64x256xf32>
    %get3A_98 = arith.constant 0 : index
    %get3A_99 = arith.constant 0 : index
    %get3A_100 = vector.load %arg7[%get3A_98, %get3A_99] : memref<64x1xf32, #tpu.memory_space<vmem>>, vector<64x1xf32>
    %add3A_101 = vector.broadcast %get3A_100 : vector<64x1xf32> to vector<64x256xf32>
    %add3A_102 = arith.addf %dot_general3A_97, %add3A_101 : vector<64x256xf32>
    %ge3A = arith.constant 0.000000e+00 : f32
    %ge3A_103 = vector.broadcast %ge3A : f32 to vector<64x256xf32>
    %ge3A_104 = arith.cmpf oge, %add3A_102, %ge3A_103 : vector<64x256xf32>
    %mul3A_105 = arith.constant 1.000000e-01 : f32
    %mul3A_106 = vector.broadcast %mul3A_105 : f32 to vector<64x256xf32>
    %mul3A_107 = arith.mulf %mul3A_106, %add3A_102 : vector<64x256xf32>
    %select_n3A = arith.select %ge3A_104, %add3A_102, %mul3A_107 : vector<64x256xi1>, vector<64x256xf32>
    %swap3A = arith.constant 0 : index
    %swap3A_108 = arith.constant 0 : index
    %swap3A_109 = arith.constant 0 : index
    %swap3A_110 = vector.load %arg8[%swap3A, %swap3A_108, %swap3A_109] : memref<1x64x256xf32, #tpu.memory_space<vmem>>, vector<1x64x256xf32>
    %swap3A_111 = vector.shape_cast %swap3A_110 : vector<1x64x256xf32> to vector<64x256xf32>
    %swap3A_112 = vector.shape_cast %select_n3A : vector<64x256xf32> to vector<1x64x256xf32>
    tpu.vector_store %arg8[%swap3A, %swap3A_108, %swap3A_109], %swap3A_112 {strides = array<i32>} : memref<1x64x256xf32, #tpu.memory_space<vmem>>, vector<1x64x256xf32>,
    return
  }
  func.func @transform_0(%arg0: i32, %arg1: i32) -> (i32, i32, i32, i32) {
    %c0_i32 = arith.constant 0 : i32
    %c0_i32_0 = arith.constant 0 : i32
    %c0_i32_1 = arith.constant 0 : i32
    return %arg0, %c0_i32, %c0_i32_0, %arg1 : i32, i32, i32, i32
  }
  func.func @transform_1(%arg0: i32, %arg1: i32) -> (i32, i32, i32, i32) {
    %c0_i32 = arith.constant 0 : i32
    %c0_i32_0 = arith.constant 0 : i32
    %c0_i32_1 = arith.constant 0 : i32
    return %arg0, %c0_i32, %arg1, %c0_i32_0 : i32, i32, i32, i32
  }
  func.func @transform_2(%arg0: i32, %arg1: i32) -> (i32, i32) {
    %c0_i32 = arith.constant 0 : i32
    %c0_i32_0 = arith.constant 0 : i32
    %c0_i32_1 = arith.constant 0 : i32
    return %c0_i32, %c0_i32_0 : i32, i32
  }
  func.func @transform_3(%arg0: i32, %arg1: i32) -> (i32, i32) {
    %c0_i32 = arith.constant 0 : i32
    %c0_i32_0 = arith.constant 0 : i32
    %c0_i32_1 = arith.constant 0 : i32
    return %c0_i32, %c0_i32_0 : i32, i32
  }
  func.func @transform_4(%arg0: i32, %arg1: i32) -> (i32, i32) {
    %c0_i32 = arith.constant 0 : i32
    %c0_i32_0 = arith.constant 0 : i32
    %c0_i32_1 = arith.constant 0 : i32
    return %c0_i32, %c0_i32_0 : i32, i32
  }
  func.func @transform_5(%arg0: i32, %arg1: i32) -> (i32, i32) {
    %c0_i32 = arith.constant 0 : i32
    %c0_i32_0 = arith.constant 0 : i32
    %c0_i32_1 = arith.constant 0 : i32
    return %c0_i32, %c0_i32_0 : i32, i32
  }
  func.func @transform_6(%arg0: i32, %arg1: i32) -> (i32, i32, i32) {
    %c0_i32 = arith.constant 0 : i32
    %c0_i32_0 = arith.constant 0 : i32
    return %arg0, %c0_i32, %arg1 : i32, i32, i32
  }
}

</mosaic_0001>

<sc_bundles>
// kernel: kernel.5.cloned.1.call-start
scs
__scs_entry_jumppad:
0x0: {  	(pc) =	sbr.rel $0x88, $3  }
0x1: {  	(tag) =	ssettag $0x0;
	lr =	simm.s32 $0x1  }
0x2: {  	[smem:$0x3F99] =	sst lr;
	_ =	strace $0xD0000000  }
0x3: {  	_ = 	snop  }
0x4: {  	_ = 	snop  }
0x5: {  	_ = 	snop  }
0x6: {  	_ = 	snop  }
0x7: {  	_ = 	snop  }
__scs_overlays_trampoline_lowered:
0x8: {  	[smem:$0x3FA8] =	sst s0  }
0x9: {  	[smem:$0x3FA9] =	sst s1  }
0xa: {  	[smem:$0x3FAA] =	sst s2  }
0xb: {  	[smem:$0x3FAB] =	sst s3  }
0xc: {  	[smem:$0x3FAC] =	sst s4  }
0xd: {  	[smem:$0x3FAD] =	sst s5  }
0xe: {  	[smem:$0x3FAE] =	sst s6  }
0xf: {  	[smem:$0x3FAF] =	sst s7  }
0x10: {  	[smem:$0x3FB0] =	sst s8  }
0x11: {  	[smem:$0x3FB1] =	sst s9;
	s0 =	simm.s32 @!p0 $0x0  }
0x12: {  	s1 =	sld [smem:$0x3F97];
	s0 =	simm.s32 @p0 $0x1  }
0x13: {  	[smem:$0x3FB2] =	sst s0;
	s0 =	simm.s32 @!p1 $0x0  }
0x14: {  	s2 =	sld [smem:$0x3F96];
	s0 =	simm.s32 @p1 $0x1  }
0x15: {  	[smem:$0x3FB3] =	sst s0;
	s0 =	simm.s32 @!p2 $0x0  }
0x16: {  	s3 =	sld [smem:$0x3FDB];
	s0 =	simm.s32 @p2 $0x1  }
0x17: {  	s4 =	simm.s32 $0x1BF5;
	[smem:$0x3FB5] =	sst s0  }
0x18: {  	s0 =	sld [smem:$0x3F98];
	_ =	swait.ge [sflag:s4], $0x0  }
0x19: {  	s7 =	sld [smem:$0x3F99]  }
0x1a: {  	s8 =	sadd.s32 $0xFFFFE003, lr  }
0x1b: {  	s9 =	sadd.s32 $0xFFFFFEF7, lr;
	s5 =	simm.s32 $0xFFFFFFFF;
	p2 =	slt.u32 s8, $0xFFFFF086  }
0x1c: {  	p1 =	slt.u32 s9, $0xF7A;
	s5 =	simm.s32 @!p2 $0x0  }
0x1d: {  	s5 =	simm.s32 @p1 $0x1;
	p0 =	seq.s32 s7, s2  }
0x1e: {  	s7 =	smul.u32 @!p0 $0xF7A, s2;
	p2 =	seq.s32 @!p0 s5, $0x0  }
0x1f: {  	s9 =	smul.u32 $0xF7A, s1;
	s8 =	simm.s32 @!p0 $0x1BF5;
	p2 =	por !p2, p0  }
0x20: {  	[sflag:s8] =	ssyncset.s32 @!p0 $0xFFFFF086;
	s6 =	sadd.s32 @!p0 s3, s7;
	s7 =	simm.s32 @!p0 $0x108  }
0x21: {  	s3 =	sadd.s32 s3, s9;
	s6 =	sadd.s32 @!p0 $0x88, s6;
	s7 =	simm.s32 @p2 $0x1082  }
0x22: {  	[simem:s7], [sflag:s8] =	dma.local @!p0 [hbm:s6], $0xF7A  }
0x23: {  	s9 =	sor.u32 $0xD0000000, s2;
	s6 =	simm.s32 $0x108;
	_ =	swait.ge @!p0 [sflag:s8], $0x0  }
0x24: {  	s3 =	sadd.s32 $0x88, s3;
	s6 =	simm.s32 @!p1 $0x1082;
	[sflag:s4] =	ssyncset.s32 $0xFFFFF086  }
0x25: {  	[simem:s6], [sflag:s4] =	dma.local [hbm:s3], $0xF7A  }
0x26: {  	[smem:$0x3F99] =	sst s1;
	(tag) =	ssettag s2;
	_ =	strace s9  }
0x27: {  	s1 =	sld [smem:$0x3FA9]  }
0x28: {  	s2 =	sld [smem:$0x3FAA]  }
0x29: {  	s4 =	sld [smem:$0x3FAC]  }
0x2a: {  	p0 =	seq.s32 s5, $0x0;
	s5 =	sld [smem:$0x3FAD]  }
0x2b: {  	s6 =	sld [smem:$0x3FAE]  }
0x2c: {  	s7 =	sld [smem:$0x3FAF]  }
0x2d: {  	s3 =	simm.s32 $0x108;
	s8 =	sld [smem:$0x3FB0]  }
0x2e: {  	s3 =	simm.s32 @!p0 $0x1082;
	s9 =	sld [smem:$0x3FB1]  }
0x2f: {  	lr =	sadd.s32 s0, s3;
	s0 =	sld [smem:$0x3FA8]  }
0x30: {  	s3 =	sld [smem:$0x3FAB]  }
0x31: {  	[smem:$0x3FB4] =	sst s10  }
0x32: {  	s10 =	sld [smem:$0x3FB2];
	_ =	sdelay $0x3  }
0x33: {  	p0 =	seq.s32 s10, $0x1;
	s10 =	sld [smem:$0x3FB4];
	_ =	sdelay $0x3  }
0x34: {  	[smem:$0x3FB4] =	sst s10  }
0x35: {  	s10 =	sld [smem:$0x3FB3];
	_ =	sdelay $0x3  }
0x36: {  	p1 =	seq.s32 s10, $0x1;
	s10 =	sld [smem:$0x3FB4];
	_ =	sdelay $0x3  }
0x37: {  	[smem:$0x3FB4] =	sst s10  }
0x38: {  	s10 =	sld [smem:$0x3FB5]  }
0x39: {  	_ = 	snop;
	(pc) =	sbr.ind lr, $3  }
0x3a: {  	_ = 	snop  }
0x3b: {  	_ = 	snop  }
0x3c: {  	p2 =	seq.s32 s10, $0x1;
	s10 =	sld [smem:$0x3FB4]  }
0x3d: {  	_ =	shalt  }
0x3e: {  	_ =	shalt  }
0x3f: {  	_ =	shalt  }
0x40: {  	_ =	shalt  }
0x41: {  	_ =	shalt  }
0x42: {  	_ =	shalt  }
0x43: {  	_ =	shalt  }
0x44: {  	_ =	shalt  }
0x45: {  	_ =	shalt  }
0x46: {  	_ =	shalt  }
0x47: {  	_ =	shalt  }
0x48: {  	_ =	shalt  }
0x49: {  	_ =	shalt  }
0x4a: {  	_ =	shalt  }
0x4b: {  	_ =	shalt  }
0x4c: {  	_ =	shalt  }
0x4d: {  	_ =	shalt  }
0x4e: {  	_ =	shalt  }
0x4f: {  	_ =	shalt  }
0x50: {  	_ =	shalt  }
0x51: {  	_ =	shalt  }
0x52: {  	_ =	shalt  }
0x53: {  	_ =	shalt  }
0x54: {  	_ =	shalt  }
0x55: {  	_ =	shalt  }
0x56: {  	_ =	shalt  }
0x57: {  	_ =	shalt  }
0x58: {  	_ =	shalt  }
0x59: {  	_ =	shalt  }
0x5a: {  	_ =	shalt  }
0x5b: {  	_ =	shalt  }
0x5c: {  	_ =	shalt  }
0x5d: {  	_ =	shalt  }
0x5e: {  	_ =	shalt  }
0x5f: {  	_ =	shalt  }
0x60: {  	_ =	shalt  }
0x61: {  	_ =	shalt  }
0x62: {  	_ =	shalt  }
0x63: {  	_ =	shalt  }
0x64: {  	_ =	shalt  }
0x65: {  	_ =	shalt  }
0x66: {  	_ =	shalt  }
0x67: {  	_ =	shalt  }
0x68: {  	_ =	shalt  }
0x69: {  	_ =	shalt  }
0x6a: {  	_ =	shalt  }
0x6b: {  	_ =	shalt  }
0x6c: {  	_ =	shalt  }
0x6d: {  	_ =	shalt  }
0x6e: {  	_ =	shalt  }
0x6f: {  	_ =	shalt  }
0x70: {  	_ =	shalt  }
0x71: {  	_ =	shalt  }
0x72: {  	_ =	shalt  }
0x73: {  	_ =	shalt  }
0x74: {  	_ =	shalt  }
0x75: {  	_ =	shalt  }
0x76: {  	_ =	shalt  }
0x77: {  	_ =	shalt  }
0x78: {  	_ =	shalt  }
0x79: {  	_ =	shalt  }
0x7a: {  	_ =	shalt  }
0x7b: {  	_ =	shalt  }
0x7c: {  	_ =	shalt  }
0x7d: {  	_ =	shalt  }
0x7e: {  	_ =	shalt  }
0x7f: {  	_ =	shalt  }
0x80: {  	_ =	shalt  }
0x81: {  	_ =	shalt  }
0x82: {  	_ =	shalt  }
0x83: {  	_ =	shalt  }
0x84: {  	_ =	shalt  }
0x85: {  	_ =	shalt  }
0x86: {  	_ =	shalt  }
0x87: {  	_ =	shalt  }
.Lfunc_end0:
.L_simem_size_0:
called_computation_lowered:
.L_overlay_start_0:
0x88: {  	s0 =	sld [smem:$0x3FD9]  }
0x89: {  	s1 =	sld [smem:$0x3FFE];
	_ =	sdelay $0x3  }
0x8a: {  	s0 =	sadd.s32 s1, s0  }
0x8b: {  	[smem:$0x3FC0] =	sst s0  }
0x8c: {  	_ = 	snop  }
0x8d: {  	s0 =	sld [smem:$0x3FD0];
	(tm) =	ssettm $0x1  }
0x8e: {  	s16 =	sld [smem:$0x3FFB];
	_ =	sdelay $0x3  }
0x8f: {  	_ =	strace s16  }
0x90: {  	s1 =	sld [smem:$0x3FFC];
	_ =	sdelay $0x3  }
0x91: {  	_ =	strace s1  }
0x92: {  	s1 =	sld [smem:$0x3FFD];
	_ =	sdelay $0x3  }
0x93: {  	_ =	strace s1  }
0x94: {  	_ =	strace $0x8FFFFFFF  }
0x95: {  	s17 =	sld [smem:$0x3FDB];
	_ =	sdelay $0x1  }
0x96: {  	s2 =	simm.s32 $_scs_section_size  }
0x97: {  	s3 =	simm.s32 $_size__tile_overlayer_lowered;
	s4 =	simm.s32 $_tile_overlayer_lowered  }
0x98: {  	s20 =	simm.s32 $0x1BFF;
	s19 =	sshll.u32 s4, $0x1;
	s1 =	sadd.s32 s2, s17  }
0x99: {  	s5 =	simm.s32 $0x0;
	s18 =	sshll.u32 s3, $0x1;
	s3 =	sadd.s32 s19, s1  }
0x9a: {  	[timem:s5], [sflag:s20] =	dma.local [hbm:s3], s18  }
0x9b: {  	_ =	swait.ge [sflag:s20], s18  }
0x9c: {  	s2 =	ssub.s32 $0x0, s18;
	[sflag:s20] =	ssyncset.done $0x0  }
0x9d: {  	[sflag:s20] =	ssyncadd.s32 s2;
	_ =	sdelay $0x1  }
0x9e: {  	s21 =	simm.s32 $0x1B8B  }
0x9f: {  	_ =	swait.ge [sflag:s21], $0x1  }
0xa0: {  	[sflag:s21] =	ssyncset.done $0x0  }
0xa1: {  	s23 =	simm.s32 $0x1B8E;
	s22 =	sld [smem:$0x3FFE];
	[sflag:s21] =	ssyncadd.s32 $0xFFFFFFFF  }
0xa2: {  	s24 =	simm.s32 $execute0_lowered;
	[smem:$0x3FD2] =	sst s23  }
0xa3: {  	s3 =	sshll.u32 s24, $0x1;
	_ =	strace $0x80000046;
	[dreg:$0x1] =	wrdreg $0xFFFFFFFF  }
0xa4: {  	s25 =	simm.s32 $_size_execute0_lowered;
	s1 =	sadd.s32 s1, s3;
	[dreg:$0x0] =	wrdreg $0x0  }
0xa5: {  	s3 =	sshll.u32 s25, $0x1;
	[dreg:$0x2] =	wrdreg s1  }
0xa6: {  	[dreg:$0x3] =	wrdreg s3  }
0xa7: {  	[dreg:$0x4] =	wrdreg $0xC0  }
0xa8: {  	_ =	task [dreg:s5], $0x5FFFF  }
0xa9: {  	[dreg:$0x1] =	wrdreg $0xFFFFFFFF  }
0xaa: {  	[dreg:$0x0] =	wrdreg $0x60  }
0xab: {  	[dreg:$0x2] =	wrdreg s22  }
0xac: {  	[dreg:$0x3] =	wrdreg s0  }
0xad: {  	[dreg:$0x4] =	wrdreg $0x9  }
0xae: {  	_ =	task.clear_ibuf [dreg:s5], $0x5FFFF;
	_ =	strace $0x90000046  }
0xaf: {  	s26 =	simm.s32 $0x9;
	_ =	strace $0x80000048  }
0xb0: {  	_ =	swait.ge [sflag:s26], $0x1  }
0xb1: {  	[sflag:s26] =	ssyncadd.s32 $0xFFFFFFFF  }
0xb2: {  	_ =	strace $0x90000048  }
0xb3: {  	_ =	sfence  }
0xb4: {  	s28 =	sld [smem:$0x0];
	_ =	sdelay $0x1  }
0xb5: {  	s29 =	srdreg.scid  }
0xb6: {  	s30 =	sshll.u32 s29, $0xD;
	s31 =	sshrl.u32 s29, $0x2  }
0xb7: {  	s2 =	sand.u32 $0x4000, s30;
	s1 =	sand.u32 $0x1, s29;
	s0 =	sadd.s32 s31, s28  }
0xb8: {  	s1 =	sor.u32 s2, s1;
	s0 =	sshll.u32 s0, $0x11  }
0xb9: {  	s0 =	sor.u32 s0, s1  }
0xba: {  	s0 =	sadd.s32 $0x8F2B, s0  }
0xbb: {  	[sflag:s0] =	ssyncadd.remote.s32 $0x1  }
0xbc: {  	_ =	sfence.sel $0xFFFF  }
0xbd: {  	[dreg:$0x0] =	wrdreg $0xFFFFFFFF;
	(pc) =	sbr.abs _section_cstart, $3  }
0xbe: {  	[dreg:$0x1] =	wrdreg $0xFFFFFFFF  }
0xbf: {  	_ =	task.clear_ibuf [dreg:s5], $0x2FFFF;
	_ =	strace $0x9FFFFFFF  }
0xc0: {  	(tm) =	ssettm $0x7FFFFFFF  }
0xc1: {  	_ =	shalt  }
tec
execute0_lowered:
.L_overlay_start_1:
0x0: {  	(tag) =	ssettag $0x1  }
0x1: {  	s11 =	rddreg [dreg:$0x0]  }
0x2: {  	s3 =	rddreg [dreg:$0x1];
	s2 =	simm.s32 $0x0;
	s1 =	stileid.u32  }
0x3: {  	[smem:$0x7FF] =	sst s2;
	s4 =	sshll.u32 s1, $0x8  }
0x4: {  	s0 =	rddreg [dreg:$0x2];
	_ =	strace $0x80000047;
	s3 =	sadd.s32 s3, s4  }
0x5: {  	[tilespmem:s2], [sflag:$0x2] =	stream.linear.gather [hbm4b:s3+s2], $0x800, $0x38;
	[tilespmem:$0x10800] =	vst v63  }
0x6: {  	s3 =	simm.s32 $0x2  }
0x7: {  	_ =	swait.ge [sflag:s3], $0x800  }
0x8: {  	s7 =	simm.s32 $0x80;
	[sflag:s3] =	ssyncset.done $0x0  }
0x9: {  	s13 =	simm.s32 $0x800;
	s5 =	sadd.s32 $0x1400, s11;
	[sflag:s3] =	ssyncadd.s32 $0xFFFFF800  }
0xa: {  	[tilespmem:s13], [sflag:$0x1] =	stream.indirect.gather [hbm4b:s5+s7], $0x80, s2, s7, $0xb8;
	[tilespmem:$0x10800] =	vst v63  }
0xb: {  	s8 =	simm.s32 $0x4800  }
0xc: {  	[tilespmem:s8], [sflag:$0x1] =	stream.indirect.gather [hbm4b:s5+s7], $0x80, s7, s7, $0xb8;
	[tilespmem:$0x10800] =	vst v63  }
0xd: {  	s6 =	simm.s32 $0x100;
	s9 =	simm.s32 $0x8800  }
0xe: {  	[tilespmem:s9], [sflag:$0x1] =	stream.indirect.gather [hbm4b:s5+s7], $0x80, s6, s7, $0xb8;
	[tilespmem:$0x10800] =	vst v63  }
0xf: {  	s14 =	simm.s32 $0x180;
	s10 =	simm.s32 $0xC800;
	s15 =	simm.s32 $0x1  }
0x10: {  	[tilespmem:s10], [sflag:$0x1] =	stream.indirect.gather [hbm4b:s5+s7], $0x80, s14, s7, $0xb8;
	[tilespmem:$0x10800] =	vst v63  }
0x11: {  	_ =	swait.ge [sflag:s15], $0x4000  }
0x12: {  	[sflag:s15] =	ssyncset.done $0x0  }
0x13: {  	[sflag:s15] =	ssyncadd.s32 $0xFFFFC000  }
0x14: {  	_ =	swait.ge [sflag:s15], $0x4000  }
0x15: {  	[sflag:s15] =	ssyncset.done $0x0  }
0x16: {  	[sflag:s15] =	ssyncadd.s32 $0xFFFFC000  }
0x17: {  	_ =	swait.ge [sflag:s15], $0x4000  }
0x18: {  	[sflag:s15] =	ssyncset.done $0x0  }
0x19: {  	[sflag:s15] =	ssyncadd.s32 $0xFFFFC000  }
0x1a: {  	s12 =	sshll.u32 s1, $0xF;
	_ =	swait.ge [sflag:s15], $0x4000  }
0x1b: {  	s11 =	sadd.s32 s12, s11;
	[sflag:s15] =	ssyncset.done $0x0  }
0x1c: {  	s11 =	sadd.s32 $0x21400, s11;
	[sflag:s15] =	ssyncadd.s32 $0xFFFFC000  }
0x1d: {  	[hbm4b:s11+s2] =	stream.linear.scatter [tilespmem:s13], [sflag:$0x2], $0x10000, $0x38;
	[tilespmem:$0x10800] =	vst v63  }
0x1e: {  	_ =	swait.ge [sflag:s3], $0x10000  }
0x1f: {  	[sflag:s3] =	ssyncset.done $0x0  }
0x20: {  	s16 =	simm.s32 $0x200;
	[sflag:s3] =	ssyncadd.s32 $0xFFFF0000  }
0x21: {  	[tilespmem:s13], [sflag:$0x1] =	stream.indirect.gather [hbm4b:s5+s7], $0x80, s16, s7, $0xb8;
	[tilespmem:$0x10800] =	vst v63  }
0x22: {  	s17 =	simm.s32 $0x280  }
0x23: {  	[tilespmem:s8], [sflag:$0x1] =	stream.indirect.gather [hbm4b:s5+s7], $0x80, s17, s7, $0xb8;
	[tilespmem:$0x10800] =	vst v63  }
0x24: {  	s18 =	simm.s32 $0x300  }
0x25: {  	[tilespmem:s9], [sflag:$0x1] =	stream.indirect.gather [hbm4b:s5+s7], $0x80, s18, s7, $0xb8;
	[tilespmem:$0x10800] =	vst v63  }
0x26: {  	s19 =	simm.s32 $0x380  }
0x27: {  	[tilespmem:s10], [sflag:$0x1] =	stream.indirect.gather [hbm4b:s5+s7], $0x80, s19, s7, $0xb8;
	[tilespmem:$0x10800] =	vst v63  }
0x28: {  	_ =	swait.ge [sflag:s15], $0x4000  }
0x29: {  	[sflag:s15] =	ssyncset.done $0x0  }
0x2a: {  	[sflag:s15] =	ssyncadd.s32 $0xFFFFC000  }
0x2b: {  	_ =	swait.ge [sflag:s15], $0x4000  }
0x2c: {  	[sflag:s15] =	ssyncset.done $0x0  }
0x2d: {  	[sflag:s15] =	ssyncadd.s32 $0xFFFFC000  }
0x2e: {  	_ =	swait.ge [sflag:s15], $0x4000  }
0x2f: {  	[sflag:s15] =	ssyncset.done $0x0  }
0x30: {  	[sflag:s15] =	ssyncadd.s32 $0xFFFFC000  }
0x31: {  	_ =	swait.ge [sflag:s15], $0x4000  }
0x32: {  	[sflag:s15] =	ssyncset.done $0x0  }
0x33: {  	s20 =	sadd.s32 $0x2000, s11;
	[sflag:s15] =	ssyncadd.s32 $0xFFFFC000  }
0x34: {  	[hbm4b:s20+s2] =	stream.linear.scatter [tilespmem:s13], [sflag:$0x2], $0x10000, $0x38;
	[tilespmem:$0x10800] =	vst v63  }
0x35: {  	_ =	swait.ge [sflag:s3], $0x10000  }
0x36: {  	[sflag:s3] =	ssyncset.done $0x0  }
0x37: {  	s21 =	simm.s32 $0x400;
	[sflag:s3] =	ssyncadd.s32 $0xFFFF0000  }
0x38: {  	[tilespmem:s13], [sflag:$0x1] =	stream.indirect.gather [hbm4b:s5+s7], $0x80, s21, s7, $0xb8;
	[tilespmem:$0x10800] =	vst v63  }
0x39: {  	s22 =	simm.s32 $0x480  }
0x3a: {  	[tilespmem:s8], [sflag:$0x1] =	stream.indirect.gather [hbm4b:s5+s7], $0x80, s22, s7, $0xb8;
	[tilespmem:$0x10800] =	vst v63  }
0x3b: {  	s23 =	simm.s32 $0x500  }
0x3c: {  	[tilespmem:s9], [sflag:$0x1] =	stream.indirect.gather [hbm4b:s5+s7], $0x80, s23, s7, $0xb8;
	[tilespmem:$0x10800] =	vst v63  }
0x3d: {  	s24 =	simm.s32 $0x580  }
0x3e: {  	[tilespmem:s10], [sflag:$0x1] =	stream.indirect.gather [hbm4b:s5+s7], $0x80, s24, s7, $0xb8;
	[tilespmem:$0x10800] =	vst v63  }
0x3f: {  	_ =	swait.ge [sflag:s15], $0x4000  }
0x40: {  	[sflag:s15] =	ssyncset.done $0x0  }
0x41: {  	[sflag:s15] =	ssyncadd.s32 $0xFFFFC000  }
0x42: {  	_ =	swait.ge [sflag:s15], $0x4000  }
0x43: {  	[sflag:s15] =	ssyncset.done $0x0  }
0x44: {  	[sflag:s15] =	ssyncadd.s32 $0xFFFFC000  }
0x45: {  	_ =	swait.ge [sflag:s15], $0x4000  }
0x46: {  	[sflag:s15] =	ssyncset.done $0x0  }
0x47: {  	[sflag:s15] =	ssyncadd.s32 $0xFFFFC000  }
0x48: {  	_ =	swait.ge [sflag:s15], $0x4000  }
0x49: {  	[sflag:s15] =	ssyncset.done $0x0  }
0x4a: {  	s25 =	sadd.s32 $0x4000, s11;
	[sflag:s15] =	ssyncadd.s32 $0xFFFFC000  }
0x4b: {  	[hbm4b:s25+s2] =	stream.linear.scatter [tilespmem:s13], [sflag:$0x2], $0x10000, $0x38;
	[tilespmem:$0x10800] =	vst v63  }
0x4c: {  	_ =	swait.ge [sflag:s3], $0x10000  }
0x4d: {  	[sflag:s3] =	ssyncset.done $0x0  }
0x4e: {  	s26 =	simm.s32 $0x600;
	[sflag:s3] =	ssyncadd.s32 $0xFFFF0000  }
0x4f: {  	[tilespmem:s13], [sflag:$0x1] =	stream.indirect.gather [hbm4b:s5+s7], $0x80, s26, s7, $0xb8;
	[tilespmem:$0x10800] =	vst v63  }
0x50: {  	s28 =	simm.s32 $0x680  }
0x51: {  	[tilespmem:s8], [sflag:$0x1] =	stream.indirect.gather [hbm4b:s5+s7], $0x80, s28, s7, $0xb8;
	[tilespmem:$0x10800] =	vst v63  }
0x52: {  	s29 =	simm.s32 $0x700  }
0x53: {  	[tilespmem:s9], [sflag:$0x1] =	stream.indirect.gather [hbm4b:s5+s7], $0x80, s29, s7, $0xb8;
	[tilespmem:$0x10800] =	vst v63  }
0x54: {  	s30 =	simm.s32 $0x780  }
0x55: {  	[tilespmem:s10], [sflag:$0x1] =	stream.indirect.gather [hbm4b:s5+s7], $0x80, s30, s7, $0xb8;
	[tilespmem:$0x10800] =	vst v63  }
0x56: {  	_ =	swait.ge [sflag:s15], $0x4000  }
0x57: {  	[sflag:s15] =	ssyncset.done $0x0  }
0x58: {  	[sflag:s15] =	ssyncadd.s32 $0xFFFFC000  }
0x59: {  	_ =	swait.ge [sflag:s15], $0x4000  }
0x5a: {  	[sflag:s15] =	ssyncset.done $0x0  }
0x5b: {  	[sflag:s15] =	ssyncadd.s32 $0xFFFFC000  }
0x5c: {  	_ =	swait.ge [sflag:s15], $0x4000  }
0x5d: {  	[sflag:s15] =	ssyncset.done $0x0  }
0x5e: {  	[sflag:s15] =	ssyncadd.s32 $0xFFFFC000  }
0x5f: {  	_ =	swait.ge [sflag:s15], $0x4000  }
0x60: {  	[sflag:s15] =	ssyncset.done $0x0  }
0x61: {  	s31 =	sadd.s32 $0x6000, s11;
	[sflag:s15] =	ssyncadd.s32 $0xFFFFC000  }
0x62: {  	[hbm4b:s31+s2] =	stream.linear.scatter [tilespmem:s13], [sflag:$0x2], $0x10000, $0x38;
	[tilespmem:$0x10800] =	vst v63  }
0x63: {  	_ =	swait.ge [sflag:s3], $0x10000  }
0x64: {  	[sflag:s3] =	ssyncset.done $0x0  }
0x65: {  	[sflag:s3] =	ssyncadd.s32 $0xFFFF0000  }
0x66: {  	_ =	sfence.sel $0x180000  }
0x67: {  	[bflag:$0x0] =	sbarrier.arrive $0xFFFF  }
0x68: {  	p0 =	sne.s32 s1, $0x0;
	_ =	strace $0x90000047  }
0x69: {  	s0 =	sadd.s32 @!p0 $0x100000, s0;
	[bflag:$0x2] =	sbarrier.arrive $0xFFFF  }
0x6a: {  	[sflag:s0] =	ssyncadd.tile.s32 @!p0 $0x1;
	_ =	shalt  }
.Lfunc_end2:
_tile_overlayer_lowered:
.L_overlay_start_2:
0x6b: {  	(tag) =	ssettag $0x2  }
0x6c: {  	s0 =	rddreg [dreg:$0x0];
	s2 =	stileid.u32  }
0x6d: {  	s1 =	rddreg [dreg:$0x1];
	p0 =	sne.s32 s2, $0x0  }
0x6e: {  	s3 =	rddreg [dreg:$0x2];
	[bflag:$0x3] =	sbarrier.arrive $0xFFFF;
	s2 =	simm.s32 @!p0 $0x1C02  }
0x6f: {  	[timem:s3], [sflag:s2] =	dma.local @!p0 [hbm:s0], s1  }
0x70: {  	s0 =	simm.s32 @!p0 $0x2  }
0x71: {  	_ =	swait.ge @!p0 [sflag:s0], s1  }
0x72: {  	s1 =	ssub.s32 @!p0 $0x0, s1;
	[sflag:s0] =	ssyncset.done @!p0 $0x0  }
0x73: {  	[sflag:s0] =	ssyncadd.s32 @!p0 s1  }
0x74: {  	[bflag:$0x3] =	sbarrier.arrive $0xFFFF  }
0x75: {  	_ =	shalt  }

</sc_bundles>
